<compile_context>
chip_gen: v7x
topology: tpu7x:2x2x1
jax: 0.10.2.dev20260603
libtpu: 0.0.44.dev20260713+nightly
codegen_flags: <defaults>
</compile_context>

<pallas_src>
import jax
import jax.numpy as jnp
from jax import lax
from jax.experimental import pallas as pl
from jax.experimental.pallas import tpu as pltpu
from jax.experimental.pallas import tpu_sc as plsc

_D = 100
_DP = 128
_LANE = 16
_HALF = 100


def _sc_gather_max(x2, table, *, num_workers, rows_per_worker):
    nc = 2

    def body(x_hbm, tbl_hbm, out_hbm, xv, buf0, buf1, buf2, buf3,
             acc_v, sem0, sem1, sem2, sem3):
        wid = lax.axis_index("s") * nc + lax.axis_index("c")
        hbase = wid * (2 * rows_per_worker)
        pltpu.sync_copy(x_hbm.at[pl.ds(hbase, 2 * rows_per_worker)], xv)

        bufs = (buf0, buf1, buf2, buf3)
        sems = (sem0, sem1, sem2, sem3)

        def gather(half_idx, k):
            pltpu.make_async_copy(tbl_hbm.at[xv.at[half_idx]],
                                  bufs[k], sems[k]).start()

        def gwait(k):
            pltpu.make_async_copy(tbl_hbm.at[xv.at[0]],
                                  bufs[k], sems[k]).wait()

        def accum(buf, sums):
            def one(l, ss):
                return tuple(ss[j] + buf[l, pl.ds(j * _LANE, _LANE)]
                             for j in range(7))
            return lax.fori_loop(0, _HALF, one, sums, unroll=4)

        for k in range(4):
            gather(k, k)

        zeros = tuple(jnp.zeros((_LANE,), jnp.float32) for _ in range(7))
        neg = tuple(jnp.full((_LANE,), -jnp.inf, jnp.float32) for _ in range(7))

        def pair_body(p, maxes):
            more = p + 1 < rows_per_worker // 2

            def step(k, sums):
                gwait(k)
                sums = accum(bufs[k], sums)

                @pl.when(more)
                def _():
                    gather(4 * p + 4 + k, k)
                return sums

            s = step(0, zeros)
            s = step(1, s)
            maxes = tuple(jnp.maximum(a, b) for a, b in zip(maxes, s))
            s = step(2, zeros)
            s = step(3, s)
            return tuple(jnp.maximum(a, b) for a, b in zip(maxes, s))

        maxes = lax.fori_loop(0, rows_per_worker // 2, pair_body, neg)

        acc_v[pl.ds(112, _LANE)] = jnp.zeros((_LANE,), jnp.float32)
        for j in range(7):
            acc_v[pl.ds(j * _LANE, _LANE)] = maxes[j]
        pltpu.sync_copy(acc_v, out_hbm.at[wid])

    mesh = plsc.VectorSubcoreMesh(core_axis_name="c", subcore_axis_name="s")
    return pl.kernel(
        body,
        mesh=mesh,
        compiler_params=pltpu.CompilerParams(use_tc_tiling_on_sc=False),
        out_type=jax.ShapeDtypeStruct((num_workers, _DP), jnp.float32),
        scratch_types=[
            pltpu.VMEM((2 * rows_per_worker, _HALF), jnp.int32),
            pltpu.VMEM((_HALF, _DP), jnp.float32),
            pltpu.VMEM((_HALF, _DP), jnp.float32),
            pltpu.VMEM((_HALF, _DP), jnp.float32),
            pltpu.VMEM((_HALF, _DP), jnp.float32),
            pltpu.VMEM((_DP,), jnp.float32),
            pltpu.SemaphoreType.DMA,
            pltpu.SemaphoreType.DMA,
            pltpu.SemaphoreType.DMA,
            pltpu.SemaphoreType.DMA,
        ],
    )(x2, table)


def _tc_pad_table(table):
    v = table.shape[0]
    blk = 24576
    grid = (v + blk - 1) // blk

    def body(t_ref, o_ref):
        o_ref[...] = jnp.pad(t_ref[...], ((0, 0), (0, _DP - _D)))

    return pl.pallas_call(
        body,
        grid=(grid,),
        in_specs=[pl.BlockSpec((blk, _D), lambda i: (i, 0))],
        out_specs=pl.BlockSpec((blk, _DP), lambda i: (i, 0)),
        out_shape=jax.ShapeDtypeStruct((v, _DP), jnp.float32),
        compiler_params=pltpu.CompilerParams(
            vmem_limit_bytes=56 * 1024 * 1024),
    )(table)


def _tc_head(smax, w_t, b2, y2):

    def body(s_ref, w_ref, b_ref, y_ref, pred_ref, loss_ref):
        s = s_ref[...]
        m = jnp.max(s, axis=0, keepdims=True)
        col = lax.broadcasted_iota(jnp.int32, m.shape, 1)
        m = jnp.where(col < _D, m, 0.0)
        h = jnp.where(m > 0, m, 0.01 * m)
        logits = jnp.dot(h, w_ref[...],
                         preferred_element_type=jnp.float32) + b_ref[...]
        e = jnp.exp(logits - jnp.max(logits, axis=1, keepdims=True))
        pred = e / jnp.sum(e, axis=1, keepdims=True)
        pred_ref[...] = pred
        pe = jnp.exp(pred - jnp.max(pred, axis=1, keepdims=True))
        lse = jnp.log(jnp.sum(pe, axis=1, keepdims=True)) + jnp.max(
            pred, axis=1, keepdims=True)
        picked = jnp.sum(pred * y_ref[...], axis=1, keepdims=True)
        loss_ref[...] = lse - picked

    return pl.pallas_call(
        body,
        out_shape=(
            jax.ShapeDtypeStruct((1, 4), jnp.float32),
            jax.ShapeDtypeStruct((1, 1), jnp.float32),
        ),
    )(smax, w_t, b2, y2)


@jax.jit
def kernel(x, y, E_td, w_out, b_out):
    bsz, seq = x.shape
    num_workers = 32
    rows_per_worker = bsz // num_workers
    x2 = x.reshape(bsz * 2, seq // 2)
    tblp = _tc_pad_table(E_td)
    smax = _sc_gather_max(x2, tblp, num_workers=num_workers,
                          rows_per_worker=rows_per_worker)
    w_t = jnp.pad(w_out, ((0, 0), (0, _DP - _D))).T
    pred2, loss2 = _tc_head(smax, w_t, b_out.reshape(1, 4), y.reshape(1, 4))
    return pred2.reshape(4), loss2.reshape(())

# --- scband reference (transcript-rebuilt; emitter-appended) ---
"""Pipeline reference for scband-path-waeold-8701603741790 (READ-ONLY COPY).

The authoritative reference and input builder live on the scoring server;
editing this copy changes nothing except your own understanding.
"""

import jax, jax.numpy as jnp
import numpy as np

VOCAB = 1000000
RANDOM_DIM = 100
CLASS_NUM = 4
B, L = 4096, 200


def setup_inputs(seed: int = 0) -> dict:
    key = jax.random.key(seed)
    k1, k2, k3, k4 = jax.random.split(key, 4)
    x = jax.random.randint(k1, (B, L), 0, VOCAB, dtype=jnp.int32)
    # one-hot label with the 1 at position 1 (module expects label.index(1))
    y = jnp.zeros((CLASS_NUM,), dtype=jnp.float32).at[1].set(1.0)
    # learned parameters, init ~ N(0, 0.1) per init_matrix
    E_td = (jax.random.normal(k2, (VOCAB, RANDOM_DIM), dtype=jnp.float32) * 0.1)
    w_out = (jax.random.normal(k3, (CLASS_NUM, RANDOM_DIM), dtype=jnp.float32) * 0.1)
    b_out = (jax.random.normal(k4, (CLASS_NUM,), dtype=jnp.float32) * 0.1)
    return {"x": x, "y": y, "E_td": E_td, "w_out": w_out, "b_out": b_out}


def reference(x, y, E_td, w_out, b_out):
    # compute_tree_states (novae=True path: path_hidden = path_random)
    # embedding gather + sum over path positions
    path_random = jnp.take(E_td, x, axis=0).sum(axis=1)  # [B, random_dim]
    path_hidden = jax.nn.leaky_relu(path_random, negative_slope=0.01)
    # dropout in eval mode -> identity
    path_max = jnp.max(path_hidden, axis=0)  # [random_dim]
    logits = (w_out * path_max[None, :]).sum(axis=1) + b_out  # [class_num]
    pred = jax.nn.softmax(logits, axis=-1)
    # compute_prob_and_loss: CrossEntropyLoss applied to the softmax output (double softmax, faithful)
    label_num = jnp.argmax(y)
    log_probs = jax.nn.log_softmax(pred[None, :], axis=-1)
    loss = -log_probs[0, label_num]
    return (pred, loss)

if __name__ == "__main__":
    import jax
    _d = setup_inputs()
    print(jax.jit(kernel)(*tuple(_d.values())))

</pallas_src>

<mosaic_0001>
#map = affine_map<(d0, d1) -> (0, 0)>
module attributes {stable_mosaic.version = 14 : i64} {
  func.func @body(%arg0: i32, %arg1: i32, %arg2: memref<8192x100xi32, #tpu.memory_space<hbm>>, %arg3: memref<1000000x128xf32, #tpu.memory_space<hbm>>, %arg4: memref<32x128xf32, #tpu.memory_space<hbm>>, %arg5: memref<256x100xi32, #tpu.memory_space<vmem>>, %arg6: memref<100x128xf32, #tpu.memory_space<vmem>>, %arg7: memref<100x128xf32, #tpu.memory_space<vmem>>, %arg8: memref<100x128xf32, #tpu.memory_space<vmem>>, %arg9: memref<100x128xf32, #tpu.memory_space<vmem>>, %arg10: memref<128xf32, #tpu.memory_space<vmem>>, %arg11: memref<!tpu.dma_semaphore, #tpu.memory_space<semaphore_mem>>, %arg12: memref<!tpu.dma_semaphore, #tpu.memory_space<semaphore_mem>>, %arg13: memref<!tpu.dma_semaphore, #tpu.memory_space<semaphore_mem>>, %arg14: memref<!tpu.dma_semaphore, #tpu.memory_space<semaphore_mem>>) attributes {dimension_semantics = [#tpu.dimension_semantics<core_parallel>, #tpu.dimension_semantics<subcore_parallel>], iteration_bounds = array<i64: 2, 16>, scalar_prefetch = 0 : i64, scratch_operands = 10 : i64, tpu.core_type = #tpu.core_type<sc_vector_subcore>, window_params = [{transform_indices = #map}, {transform_indices = #map}, {transform_indices = #map}]} {
    %mul3A = arith.constant 2 : i32
    %mul3A_0 = arith.muli %arg1, %mul3A : i32
    %add3A = arith.addi %mul3A_0, %arg0 : i32
    %mul3A_1 = arith.constant 256 : i32
    %mul3A_2 = arith.muli %add3A, %mul3A_1 : i32
    "tpu.region"() ({
      %run_scoped3A = tpu.sem_alloc : memref<!tpu.dma_semaphore, #tpu.memory_space<semaphore_mem>>
      %dma_start3A_95 = arith.constant 0 : i32
      %dma_start3A_96 = tpu.memref_slice %arg2[%mul3A_2, %dma_start3A_95] : memref<8192x100xi32, #tpu.memory_space<hbm>> -> memref<256x100xi32, #tpu.memory_space<hbm>>
      %dma_start3A_97 = arith.constant 0 : i32
      %dma_start3A_98 = tpu.memref_slice %arg2[%mul3A_2, %dma_start3A_97] : memref<8192x100xi32, #tpu.memory_space<hbm>> -> memref<256x100xi32, #tpu.memory_space<hbm>>
      tpu.enqueue_dma source(%dma_start3A_98 : memref<256x100xi32, #tpu.memory_space<hbm>>) target(%arg5 : memref<256x100xi32, #tpu.memory_space<vmem>>) target_semaphore(%run_scoped3A : memref<!tpu.dma_semaphore, #tpu.memory_space<semaphore_mem>>)
      %dma_wait3A = arith.constant 0 : i32
      %dma_wait3A_99 = tpu.memref_slice %arg2[%mul3A_2, %dma_wait3A] : memref<8192x100xi32, #tpu.memory_space<hbm>> -> memref<256x100xi32, #tpu.memory_space<hbm>>
      %dma_wait3A_100 = arith.constant 0 : i32
      %dma_wait3A_101 = tpu.memref_slice %arg2[%mul3A_2, %dma_wait3A_100] : memref<8192x100xi32, #tpu.memory_space<hbm>> -> memref<256x100xi32, #tpu.memory_space<hbm>>
      tpu.wait_dma2 semaphore(%run_scoped3A : memref<!tpu.dma_semaphore, #tpu.memory_space<semaphore_mem>>) src(%dma_wait3A_101 : memref<256x100xi32, #tpu.memory_space<hbm>>) dst(%arg5 : memref<256x100xi32, #tpu.memory_space<vmem>>)
      tpu.yield
    }) : () -> ()
    %dma_start3A = arith.constant 0 : i32
    %dma_start3A_3 = arith.constant 0 : i32
    %dma_start3A_4 = tpu.memref_slice %arg5[%dma_start3A, %dma_start3A_3] : memref<256x100xi32, #tpu.memory_space<vmem>> -> memref<1x100xi32, #tpu.memory_space<vmem>>
    %dma_start3A_5 = tpu.memref_squeeze %dma_start3A_4 : memref<1x100xi32, #tpu.memory_space<vmem>> -> memref<100xi32, #tpu.memory_space<vmem>>
    %dma_start3A_6 = arith.constant 0 : i32
    %dma_start3A_7 = arith.constant 0 : i32
    %dma_start3A_8 = tpu.memref_slice %arg3[%dma_start3A_6, %dma_start3A_7] : memref<1000000x128xf32, #tpu.memory_space<hbm>> -> memref<1000000x128xf32, #tpu.memory_space<hbm>>
    tpu.enqueue_indirect_dma source(%dma_start3A_8 : memref<1000000x128xf32, #tpu.memory_space<hbm>>) target(%arg6 : memref<100x128xf32, #tpu.memory_space<vmem>>) offsets(%dma_start3A_5 : memref<100xi32, #tpu.memory_space<vmem>>) semaphore(%arg11 : memref<!tpu.dma_semaphore, #tpu.memory_space<semaphore_mem>>)
    %dma_start3A_9 = arith.constant 1 : i32
    %dma_start3A_10 = arith.constant 0 : i32
    %dma_start3A_11 = tpu.memref_slice %arg5[%dma_start3A_9, %dma_start3A_10] : memref<256x100xi32, #tpu.memory_space<vmem>> -> memref<1x100xi32, #tpu.memory_space<vmem>>
    %dma_start3A_12 = tpu.memref_squeeze %dma_start3A_11 : memref<1x100xi32, #tpu.memory_space<vmem>> -> memref<100xi32, #tpu.memory_space<vmem>>
    %dma_start3A_13 = arith.constant 0 : i32
    %dma_start3A_14 = arith.constant 0 : i32
    %dma_start3A_15 = tpu.memref_slice %arg3[%dma_start3A_13, %dma_start3A_14] : memref<1000000x128xf32, #tpu.memory_space<hbm>> -> memref<1000000x128xf32, #tpu.memory_space<hbm>>
    tpu.enqueue_indirect_dma source(%dma_start3A_15 : memref<1000000x128xf32, #tpu.memory_space<hbm>>) target(%arg7 : memref<100x128xf32, #tpu.memory_space<vmem>>) offsets(%dma_start3A_12 : memref<100xi32, #tpu.memory_space<vmem>>) semaphore(%arg12 : memref<!tpu.dma_semaphore, #tpu.memory_space<semaphore_mem>>)
    %dma_start3A_16 = arith.constant 2 : i32
    %dma_start3A_17 = arith.constant 0 : i32
    %dma_start3A_18 = tpu.memref_slice %arg5[%dma_start3A_16, %dma_start3A_17] : memref<256x100xi32, #tpu.memory_space<vmem>> -> memref<1x100xi32, #tpu.memory_space<vmem>>
    %dma_start3A_19 = tpu.memref_squeeze %dma_start3A_18 : memref<1x100xi32, #tpu.memory_space<vmem>> -> memref<100xi32, #tpu.memory_space<vmem>>
    %dma_start3A_20 = arith.constant 0 : i32
    %dma_start3A_21 = arith.constant 0 : i32
    %dma_start3A_22 = tpu.memref_slice %arg3[%dma_start3A_20, %dma_start3A_21] : memref<1000000x128xf32, #tpu.memory_space<hbm>> -> memref<1000000x128xf32, #tpu.memory_space<hbm>>
    tpu.enqueue_indirect_dma source(%dma_start3A_22 : memref<1000000x128xf32, #tpu.memory_space<hbm>>) target(%arg8 : memref<100x128xf32, #tpu.memory_space<vmem>>) offsets(%dma_start3A_19 : memref<100xi32, #tpu.memory_space<vmem>>) semaphore(%arg13 : memref<!tpu.dma_semaphore, #tpu.memory_space<semaphore_mem>>)
    %dma_start3A_23 = arith.constant 3 : i32
    %dma_start3A_24 = arith.constant 0 : i32
    %dma_start3A_25 = tpu.memref_slice %arg5[%dma_start3A_23, %dma_start3A_24] : memref<256x100xi32, #tpu.memory_space<vmem>> -> memref<1x100xi32, #tpu.memory_space<vmem>>
    %dma_start3A_26 = tpu.memref_squeeze %dma_start3A_25 : memref<1x100xi32, #tpu.memory_space<vmem>> -> memref<100xi32, #tpu.memory_space<vmem>>
    %dma_start3A_27 = arith.constant 0 : i32
    %dma_start3A_28 = arith.constant 0 : i32
    %dma_start3A_29 = tpu.memref_slice %arg3[%dma_start3A_27, %dma_start3A_28] : memref<1000000x128xf32, #tpu.memory_space<hbm>> -> memref<1000000x128xf32, #tpu.memory_space<hbm>>
    tpu.enqueue_indirect_dma source(%dma_start3A_29 : memref<1000000x128xf32, #tpu.memory_space<hbm>>) target(%arg9 : memref<100x128xf32, #tpu.memory_space<vmem>>) offsets(%dma_start3A_26 : memref<100xi32, #tpu.memory_space<vmem>>) semaphore(%arg14 : memref<!tpu.dma_semaphore, #tpu.memory_space<semaphore_mem>>)
    %broadcast_in_dim3A = arith.constant 0.000000e+00 : f32
    %broadcast_in_dim3A_30 = vector.broadcast %broadcast_in_dim3A : f32 to vector<16xf32>
    %broadcast_in_dim3A_31 = arith.constant 0.000000e+00 : f32
    %broadcast_in_dim3A_32 = vector.broadcast %broadcast_in_dim3A_31 : f32 to vector<16xf32>
    %broadcast_in_dim3A_33 = arith.constant 0.000000e+00 : f32
    %broadcast_in_dim3A_34 = vector.broadcast %broadcast_in_dim3A_33 : f32 to vector<16xf32>
    %broadcast_in_dim3A_35 = arith.constant 0.000000e+00 : f32
    %broadcast_in_dim3A_36 = vector.broadcast %broadcast_in_dim3A_35 : f32 to vector<16xf32>
    %broadcast_in_dim3A_37 = arith.constant 0.000000e+00 : f32
    %broadcast_in_dim3A_38 = vector.broadcast %broadcast_in_dim3A_37 : f32 to vector<16xf32>
    %broadcast_in_dim3A_39 = arith.constant 0.000000e+00 : f32
    %broadcast_in_dim3A_40 = vector.broadcast %broadcast_in_dim3A_39 : f32 to vector<16xf32>
    %broadcast_in_dim3A_41 = arith.constant 0.000000e+00 : f32
    %broadcast_in_dim3A_42 = vector.broadcast %broadcast_in_dim3A_41 : f32 to vector<16xf32>
    %broadcast_in_dim3A_43 = arith.constant 0xFF800000 : f32
    %broadcast_in_dim3A_44 = vector.broadcast %broadcast_in_dim3A_43 : f32 to vector<16xf32>
    %broadcast_in_dim3A_45 = arith.constant 0xFF800000 : f32
    %broadcast_in_dim3A_46 = vector.broadcast %broadcast_in_dim3A_45 : f32 to vector<16xf32>
    %broadcast_in_dim3A_47 = arith.constant 0xFF800000 : f32
    %broadcast_in_dim3A_48 = vector.broadcast %broadcast_in_dim3A_47 : f32 to vector<16xf32>
    %broadcast_in_dim3A_49 = arith.constant 0xFF800000 : f32
    %broadcast_in_dim3A_50 = vector.broadcast %broadcast_in_dim3A_49 : f32 to vector<16xf32>
    %broadcast_in_dim3A_51 = arith.constant 0xFF800000 : f32
    %broadcast_in_dim3A_52 = vector.broadcast %broadcast_in_dim3A_51 : f32 to vector<16xf32>
    %broadcast_in_dim3A_53 = arith.constant 0xFF800000 : f32
    %broadcast_in_dim3A_54 = vector.broadcast %broadcast_in_dim3A_53 : f32 to vector<16xf32>
    %broadcast_in_dim3A_55 = arith.constant 0xFF800000 : f32
    %broadcast_in_dim3A_56 = vector.broadcast %broadcast_in_dim3A_55 : f32 to vector<16xf32>
    %scan3A = arith.constant 0 : i32
    %scan3A_57 = arith.constant 64 : i32
    %scan3A_58 = arith.addi %scan3A, %scan3A_57 : i32
    %scan3A_59 = arith.constant 1 : i32
    %scan3A_60:7 = scf.for %scan3A_95 = %scan3A to %scan3A_58 step %scan3A_59 iter_args(%scan3A_96 = %broadcast_in_dim3A_44, %scan3A_97 = %broadcast_in_dim3A_46, %scan3A_98 = %broadcast_in_dim3A_48, %scan3A_99 = %broadcast_in_dim3A_50, %scan3A_100 = %broadcast_in_dim3A_52, %scan3A_101 = %broadcast_in_dim3A_54, %scan3A_102 = %broadcast_in_dim3A_56) -> (vector<16xf32>, vector<16xf32>, vector<16xf32>, vector<16xf32>, vector<16xf32>, vector<16xf32>, vector<16xf32>)  : i32 {
      %add3A_103 = arith.constant 1 : i32
      %add3A_104 = arith.addi %scan3A_95, %add3A_103 : i32
      %lt3A = arith.constant 64 : i32
      %lt3A_105 = arith.cmpi slt, %add3A_104, %lt3A : i32
      %dma_wait3A = arith.constant 0 : i32
      %dma_wait3A_106 = arith.constant 0 : i32
      %dma_wait3A_107 = tpu.memref_slice %arg5[%dma_wait3A, %dma_wait3A_106] : memref<256x100xi32, #tpu.memory_space<vmem>> -> memref<1x100xi32, #tpu.memory_space<vmem>>
      %dma_wait3A_108 = tpu.memref_squeeze %dma_wait3A_107 : memref<1x100xi32, #tpu.memory_space<vmem>> -> memref<100xi32, #tpu.memory_space<vmem>>
      %dma_wait3A_109 = arith.constant 0 : i32
      %dma_wait3A_110 = arith.constant 0 : i32
      %dma_wait3A_111 = tpu.memref_slice %arg3[%dma_wait3A_109, %dma_wait3A_110] : memref<1000000x128xf32, #tpu.memory_space<hbm>> -> memref<1000000x128xf32, #tpu.memory_space<hbm>>
      tpu.wait_indirect_dma semaphore(%arg11 : memref<!tpu.dma_semaphore, #tpu.memory_space<semaphore_mem>>) src(%dma_wait3A_111 : memref<1000000x128xf32, #tpu.memory_space<hbm>>) dst(%arg6 : memref<100x128xf32, #tpu.memory_space<vmem>>)
      %scan3A_112 = arith.constant 0 : i32
      %scan3A_113 = arith.constant 100 : i32
      %scan3A_114 = arith.addi %scan3A_112, %scan3A_113 : i32
      %scan3A_115 = arith.constant 4 : i32
      %scan3A_116:7 = scf.for %scan3A_180 = %scan3A_112 to %scan3A_114 step %scan3A_115 iter_args(%scan3A_181 = %broadcast_in_dim3A_30, %scan3A_182 = %broadcast_in_dim3A_32, %scan3A_183 = %broadcast_in_dim3A_34, %scan3A_184 = %broadcast_in_dim3A_36, %scan3A_185 = %broadcast_in_dim3A_38, %scan3A_186 = %broadcast_in_dim3A_40, %scan3A_187 = %broadcast_in_dim3A_42) -> (vector<16xf32>, vector<16xf32>, vector<16xf32>, vector<16xf32>, vector<16xf32>, vector<16xf32>, vector<16xf32>)  : i32 {
        %get3A = arith.index_cast %scan3A_180 : i32 to index
        %get3A_188 = arith.constant 0 : index
        %get3A_189 = tpu.vector_load %arg6[%get3A, %get3A_188] {strides = array<i32>} : memref<100x128xf32, #tpu.memory_space<vmem>>, vector<1x16xf32>,
        %get3A_190 = vector.shape_cast %get3A_189 : vector<1x16xf32> to vector<16xf32>
        %add3A_191 = arith.addf %scan3A_181, %get3A_190 : vector<16xf32>
        %get3A_192 = arith.index_cast %scan3A_180 : i32 to index
        %get3A_193 = arith.constant 16 : index
        %get3A_194 = tpu.vector_load %arg6[%get3A_192, %get3A_193] {strides = array<i32>} : memref<100x128xf32, #tpu.memory_space<vmem>>, vector<1x16xf32>,
        %get3A_195 = vector.shape_cast %get3A_194 : vector<1x16xf32> to vector<16xf32>
        %add3A_196 = arith.addf %scan3A_182, %get3A_195 : vector<16xf32>
        %get3A_197 = arith.index_cast %scan3A_180 : i32 to index
        %get3A_198 = arith.constant 32 : index
        %get3A_199 = tpu.vector_load %arg6[%get3A_197, %get3A_198] {strides = array<i32>} : memref<100x128xf32, #tpu.memory_space<vmem>>, vector<1x16xf32>,
        %get3A_200 = vector.shape_cast %get3A_199 : vector<1x16xf32> to vector<16xf32>
        %add3A_201 = arith.addf %scan3A_183, %get3A_200 : vector<16xf32>
        %get3A_202 = arith.index_cast %scan3A_180 : i32 to index
        %get3A_203 = arith.constant 48 : index
        %get3A_204 = tpu.vector_load %arg6[%get3A_202, %get3A_203] {strides = array<i32>} : memref<100x128xf32, #tpu.memory_space<vmem>>, vector<1x16xf32>,
        %get3A_205 = vector.shape_cast %get3A_204 : vector<1x16xf32> to vector<16xf32>
        %add3A_206 = arith.addf %scan3A_184, %get3A_205 : vector<16xf32>
        %get3A_207 = arith.index_cast %scan3A_180 : i32 to index
        %get3A_208 = arith.constant 64 : index
        %get3A_209 = tpu.vector_load %arg6[%get3A_207, %get3A_208] {strides = array<i32>} : memref<100x128xf32, #tpu.memory_space<vmem>>, vector<1x16xf32>,
        %get3A_210 = vector.shape_cast %get3A_209 : vector<1x16xf32> to vector<16xf32>
        %add3A_211 = arith.addf %scan3A_185, %get3A_210 : vector<16xf32>
        %get3A_212 = arith.index_cast %scan3A_180 : i32 to index
        %get3A_213 = arith.constant 80 : index
        %get3A_214 = tpu.vector_load %arg6[%get3A_212, %get3A_213] {strides = array<i32>} : memref<100x128xf32, #tpu.memory_space<vmem>>, vector<1x16xf32>,
        %get3A_215 = vector.shape_cast %get3A_214 : vector<1x16xf32> to vector<16xf32>
        %add3A_216 = arith.addf %scan3A_186, %get3A_215 : vector<16xf32>
        %get3A_217 = arith.index_cast %scan3A_180 : i32 to index
        %get3A_218 = arith.constant 96 : index
        %get3A_219 = tpu.vector_load %arg6[%get3A_217, %get3A_218] {strides = array<i32>} : memref<100x128xf32, #tpu.memory_space<vmem>>, vector<1x16xf32>,
        %get3A_220 = vector.shape_cast %get3A_219 : vector<1x16xf32> to vector<16xf32>
        %add3A_221 = arith.addf %scan3A_187, %get3A_220 : vector<16xf32>
        %scan3A_222 = arith.constant 1 : i32
        %scan3A_223 = arith.addi %scan3A_180, %scan3A_222 : i32
        %get3A_224 = arith.index_cast %scan3A_223 : i32 to index
        %get3A_225 = arith.constant 0 : index
        %get3A_226 = tpu.vector_load %arg6[%get3A_224, %get3A_225] {strides = array<i32>} : memref<100x128xf32, #tpu.memory_space<vmem>>, vector<1x16xf32>,
        %get3A_227 = vector.shape_cast %get3A_226 : vector<1x16xf32> to vector<16xf32>
        %add3A_228 = arith.addf %add3A_191, %get3A_227 : vector<16xf32>
        %get3A_229 = arith.index_cast %scan3A_223 : i32 to index
        %get3A_230 = arith.constant 16 : index
        %get3A_231 = tpu.vector_load %arg6[%get3A_229, %get3A_230] {strides = array<i32>} : memref<100x128xf32, #tpu.memory_space<vmem>>, vector<1x16xf32>,
        %get3A_232 = vector.shape_cast %get3A_231 : vector<1x16xf32> to vector<16xf32>
        %add3A_233 = arith.addf %add3A_196, %get3A_232 : vector<16xf32>
        %get3A_234 = arith.index_cast %scan3A_223 : i32 to index
        %get3A_235 = arith.constant 32 : index
        %get3A_236 = tpu.vector_load %arg6[%get3A_234, %get3A_235] {strides = array<i32>} : memref<100x128xf32, #tpu.memory_space<vmem>>, vector<1x16xf32>,
        %get3A_237 = vector.shape_cast %get3A_236 : vector<1x16xf32> to vector<16xf32>
        %add3A_238 = arith.addf %add3A_201, %get3A_237 : vector<16xf32>
        %get3A_239 = arith.index_cast %scan3A_223 : i32 to index
        %get3A_240 = arith.constant 48 : index
        %get3A_241 = tpu.vector_load %arg6[%get3A_239, %get3A_240] {strides = array<i32>} : memref<100x128xf32, #tpu.memory_space<vmem>>, vector<1x16xf32>,
        %get3A_242 = vector.shape_cast %get3A_241 : vector<1x16xf32> to vector<16xf32>
        %add3A_243 = arith.addf %add3A_206, %get3A_242 : vector<16xf32>
        %get3A_244 = arith.index_cast %scan3A_223 : i32 to index
        %get3A_245 = arith.constant 64 : index
        %get3A_246 = tpu.vector_load %arg6[%get3A_244, %get3A_245] {strides = array<i32>} : memref<100x128xf32, #tpu.memory_space<vmem>>, vector<1x16xf32>,
        %get3A_247 = vector.shape_cast %get3A_246 : vector<1x16xf32> to vector<16xf32>
        %add3A_248 = arith.addf %add3A_211, %get3A_247 : vector<16xf32>
        %get3A_249 = arith.index_cast %scan3A_223 : i32 to index
        %get3A_250 = arith.constant 80 : index
        %get3A_251 = tpu.vector_load %arg6[%get3A_249, %get3A_250] {strides = array<i32>} : memref<100x128xf32, #tpu.memory_space<vmem>>, vector<1x16xf32>,
        %get3A_252 = vector.shape_cast %get3A_251 : vector<1x16xf32> to vector<16xf32>
        %add3A_253 = arith.addf %add3A_216, %get3A_252 : vector<16xf32>
        %get3A_254 = arith.index_cast %scan3A_223 : i32 to index
        %get3A_255 = arith.constant 96 : index
        %get3A_256 = tpu.vector_load %arg6[%get3A_254, %get3A_255] {strides = array<i32>} : memref<100x128xf32, #tpu.memory_space<vmem>>, vector<1x16xf32>,
        %get3A_257 = vector.shape_cast %get3A_256 : vector<1x16xf32> to vector<16xf32>
        %add3A_258 = arith.addf %add3A_221, %get3A_257 : vector<16xf32>
        %scan3A_259 = arith.constant 2 : i32
        %scan3A_260 = arith.addi %scan3A_180, %scan3A_259 : i32
        %get3A_261 = arith.index_cast %scan3A_260 : i32 to index
        %get3A_262 = arith.constant 0 : index
        %get3A_263 = tpu.vector_load %arg6[%get3A_261, %get3A_262] {strides = array<i32>} : memref<100x128xf32, #tpu.memory_space<vmem>>, vector<1x16xf32>,
        %get3A_264 = vector.shape_cast %get3A_263 : vector<1x16xf32> to vector<16xf32>
        %add3A_265 = arith.addf %add3A_228, %get3A_264 : vector<16xf32>
        %get3A_266 = arith.index_cast %scan3A_260 : i32 to index
        %get3A_267 = arith.constant 16 : index
        %get3A_268 = tpu.vector_load %arg6[%get3A_266, %get3A_267] {strides = array<i32>} : memref<100x128xf32, #tpu.memory_space<vmem>>, vector<1x16xf32>,
        %get3A_269 = vector.shape_cast %get3A_268 : vector<1x16xf32> to vector<16xf32>
        %add3A_270 = arith.addf %add3A_233, %get3A_269 : vector<16xf32>
        %get3A_271 = arith.index_cast %scan3A_260 : i32 to index
        %get3A_272 = arith.constant 32 : index
        %get3A_273 = tpu.vector_load %arg6[%get3A_271, %get3A_272] {strides = array<i32>} : memref<100x128xf32, #tpu.memory_space<vmem>>, vector<1x16xf32>,
        %get3A_274 = vector.shape_cast %get3A_273 : vector<1x16xf32> to vector<16xf32>
        %add3A_275 = arith.addf %add3A_238, %get3A_274 : vector<16xf32>
        %get3A_276 = arith.index_cast %scan3A_260 : i32 to index
        %get3A_277 = arith.constant 48 : index
        %get3A_278 = tpu.vector_load %arg6[%get3A_276, %get3A_277] {strides = array<i32>} : memref<100x128xf32, #tpu.memory_space<vmem>>, vector<1x16xf32>,
        %get3A_279 = vector.shape_cast %get3A_278 : vector<1x16xf32> to vector<16xf32>
        %add3A_280 = arith.addf %add3A_243, %get3A_279 : vector<16xf32>
        %get3A_281 = arith.index_cast %scan3A_260 : i32 to index
        %get3A_282 = arith.constant 64 : index
        %get3A_283 = tpu.vector_load %arg6[%get3A_281, %get3A_282] {strides = array<i32>} : memref<100x128xf32, #tpu.memory_space<vmem>>, vector<1x16xf32>,
        %get3A_284 = vector.shape_cast %get3A_283 : vector<1x16xf32> to vector<16xf32>
        %add3A_285 = arith.addf %add3A_248, %get3A_284 : vector<16xf32>
        %get3A_286 = arith.index_cast %scan3A_260 : i32 to index
        %get3A_287 = arith.constant 80 : index
        %get3A_288 = tpu.vector_load %arg6[%get3A_286, %get3A_287] {strides = array<i32>} : memref<100x128xf32, #tpu.memory_space<vmem>>, vector<1x16xf32>,
        %get3A_289 = vector.shape_cast %get3A_288 : vector<1x16xf32> to vector<16xf32>
        %add3A_290 = arith.addf %add3A_253, %get3A_289 : vector<16xf32>
        %get3A_291 = arith.index_cast %scan3A_260 : i32 to index
        %get3A_292 = arith.constant 96 : index
        %get3A_293 = tpu.vector_load %arg6[%get3A_291, %get3A_292] {strides = array<i32>} : memref<100x128xf32, #tpu.memory_space<vmem>>, vector<1x16xf32>,
        %get3A_294 = vector.shape_cast %get3A_293 : vector<1x16xf32> to vector<16xf32>
        %add3A_295 = arith.addf %add3A_258, %get3A_294 : vector<16xf32>
        %scan3A_296 = arith.constant 3 : i32
        %scan3A_297 = arith.addi %scan3A_180, %scan3A_296 : i32
        %get3A_298 = arith.index_cast %scan3A_297 : i32 to index
        %get3A_299 = arith.constant 0 : index
        %get3A_300 = tpu.vector_load %arg6[%get3A_298, %get3A_299] {strides = array<i32>} : memref<100x128xf32, #tpu.memory_space<vmem>>, vector<1x16xf32>,
        %get3A_301 = vector.shape_cast %get3A_300 : vector<1x16xf32> to vector<16xf32>
        %add3A_302 = arith.addf %add3A_265, %get3A_301 : vector<16xf32>
        %get3A_303 = arith.index_cast %scan3A_297 : i32 to index
        %get3A_304 = arith.constant 16 : index
        %get3A_305 = tpu.vector_load %arg6[%get3A_303, %get3A_304] {strides = array<i32>} : memref<100x128xf32, #tpu.memory_space<vmem>>, vector<1x16xf32>,
        %get3A_306 = vector.shape_cast %get3A_305 : vector<1x16xf32> to vector<16xf32>
        %add3A_307 = arith.addf %add3A_270, %get3A_306 : vector<16xf32>
        %get3A_308 = arith.index_cast %scan3A_297 : i32 to index
        %get3A_309 = arith.constant 32 : index
        %get3A_310 = tpu.vector_load %arg6[%get3A_308, %get3A_309] {strides = array<i32>} : memref<100x128xf32, #tpu.memory_space<vmem>>, vector<1x16xf32>,
        %get3A_311 = vector.shape_cast %get3A_310 : vector<1x16xf32> to vector<16xf32>
        %add3A_312 = arith.addf %add3A_275, %get3A_311 : vector<16xf32>
        %get3A_313 = arith.index_cast %scan3A_297 : i32 to index
        %get3A_314 = arith.constant 48 : index
        %get3A_315 = tpu.vector_load %arg6[%get3A_313, %get3A_314] {strides = array<i32>} : memref<100x128xf32, #tpu.memory_space<vmem>>, vector<1x16xf32>,
        %get3A_316 = vector.shape_cast %get3A_315 : vector<1x16xf32> to vector<16xf32>
        %add3A_317 = arith.addf %add3A_280, %get3A_316 : vector<16xf32>
        %get3A_318 = arith.index_cast %scan3A_297 : i32 to index
        %get3A_319 = arith.constant 64 : index
        %get3A_320 = tpu.vector_load %arg6[%get3A_318, %get3A_319] {strides = array<i32>} : memref<100x128xf32, #tpu.memory_space<vmem>>, vector<1x16xf32>,
        %get3A_321 = vector.shape_cast %get3A_320 : vector<1x16xf32> to vector<16xf32>
        %add3A_322 = arith.addf %add3A_285, %get3A_321 : vector<16xf32>
        %get3A_323 = arith.index_cast %scan3A_297 : i32 to index
        %get3A_324 = arith.constant 80 : index
        %get3A_325 = tpu.vector_load %arg6[%get3A_323, %get3A_324] {strides = array<i32>} : memref<100x128xf32, #tpu.memory_space<vmem>>, vector<1x16xf32>,
        %get3A_326 = vector.shape_cast %get3A_325 : vector<1x16xf32> to vector<16xf32>
        %add3A_327 = arith.addf %add3A_290, %get3A_326 : vector<16xf32>
        %get3A_328 = arith.index_cast %scan3A_297 : i32 to index
        %get3A_329 = arith.constant 96 : index
        %get3A_330 = tpu.vector_load %arg6[%get3A_328, %get3A_329] {strides = array<i32>} : memref<100x128xf32, #tpu.memory_space<vmem>>, vector<1x16xf32>,
        %get3A_331 = vector.shape_cast %get3A_330 : vector<1x16xf32> to vector<16xf32>
        %add3A_332 = arith.addf %add3A_295, %get3A_331 : vector<16xf32>
        scf.yield %add3A_302, %add3A_307, %add3A_312, %add3A_317, %add3A_322, %add3A_327, %add3A_332 : vector<16xf32>, vector<16xf32>, vector<16xf32>, vector<16xf32>, vector<16xf32>, vector<16xf32>, vector<16xf32>
      }
      %scan3A_117 = arith.constant 100 : i32
      %convert_element_type3A = arith.extui %lt3A_105 : i1 to i32
      %cond3A = arith.constant 0 : i32
      %cond3A_118 = arith.cmpi ne, %convert_element_type3A, %cond3A : i32
      scf.if %cond3A_118 {
        %mul3A_180 = arith.constant 4 : i32
        %mul3A_181 = arith.muli %mul3A_180, %scan3A_95 : i32
        %add3A_182 = arith.constant 4 : i32
        %add3A_183 = arith.addi %mul3A_181, %add3A_182 : i32
        %add3A_184 = arith.constant 0 : i32
        %add3A_185 = arith.addi %add3A_183, %add3A_184 : i32
        %dma_start3A_186 = arith.constant 0 : i32
        %dma_start3A_187 = tpu.memref_slice %arg5[%add3A_185, %dma_start3A_186] : memref<256x100xi32, #tpu.memory_space<vmem>> -> memref<1x100xi32, #tpu.memory_space<vmem>>
        %dma_start3A_188 = tpu.memref_squeeze %dma_start3A_187 : memref<1x100xi32, #tpu.memory_space<vmem>> -> memref<100xi32, #tpu.memory_space<vmem>>
        %dma_start3A_189 = arith.constant 0 : i32
        %dma_start3A_190 = arith.constant 0 : i32
        %dma_start3A_191 = tpu.memref_slice %arg3[%dma_start3A_189, %dma_start3A_190] : memref<1000000x128xf32, #tpu.memory_space<hbm>> -> memref<1000000x128xf32, #tpu.memory_space<hbm>>
        tpu.enqueue_indirect_dma source(%dma_start3A_191 : memref<1000000x128xf32, #tpu.memory_space<hbm>>) target(%arg6 : memref<100x128xf32, #tpu.memory_space<vmem>>) offsets(%dma_start3A_188 : memref<100xi32, #tpu.memory_space<vmem>>) semaphore(%arg11 : memref<!tpu.dma_semaphore, #tpu.memory_space<semaphore_mem>>)
      } else {
      }
      %dma_wait3A_119 = arith.constant 0 : i32
      %dma_wait3A_120 = arith.constant 0 : i32
      %dma_wait3A_121 = tpu.memref_slice %arg5[%dma_wait3A_119, %dma_wait3A_120] : memref<256x100xi32, #tpu.memory_space<vmem>> -> memref<1x100xi32, #tpu.memory_space<vmem>>
      %dma_wait3A_122 = tpu.memref_squeeze %dma_wait3A_121 : memref<1x100xi32, #tpu.memory_space<vmem>> -> memref<100xi32, #tpu.memory_space<vmem>>
      %dma_wait3A_123 = arith.constant 0 : i32
      %dma_wait3A_124 = arith.constant 0 : i32
      %dma_wait3A_125 = tpu.memref_slice %arg3[%dma_wait3A_123, %dma_wait3A_124] : memref<1000000x128xf32, #tpu.memory_space<hbm>> -> memref<1000000x128xf32, #tpu.memory_space<hbm>>
      tpu.wait_indirect_dma semaphore(%arg12 : memref<!tpu.dma_semaphore, #tpu.memory_space<semaphore_mem>>) src(%dma_wait3A_125 : memref<1000000x128xf32, #tpu.memory_space<hbm>>) dst(%arg7 : memref<100x128xf32, #tpu.memory_space<vmem>>)
      %scan3A_126 = arith.constant 0 : i32
      %scan3A_127 = arith.constant 100 : i32
      %scan3A_128 = arith.addi %scan3A_126, %scan3A_127 : i32
      %scan3A_129 = arith.constant 4 : i32
      %scan3A_130:7 = scf.for %scan3A_180 = %scan3A_126 to %scan3A_128 step %scan3A_129 iter_args(%scan3A_181 = %scan3A_116#0, %scan3A_182 = %scan3A_116#1, %scan3A_183 = %scan3A_116#2, %scan3A_184 = %scan3A_116#3, %scan3A_185 = %scan3A_116#4, %scan3A_186 = %scan3A_116#5, %scan3A_187 = %scan3A_116#6) -> (vector<16xf32>, vector<16xf32>, vector<16xf32>, vector<16xf32>, vector<16xf32>, vector<16xf32>, vector<16xf32>)  : i32 {
        %get3A = arith.index_cast %scan3A_180 : i32 to index
        %get3A_188 = arith.constant 0 : index
        %get3A_189 = tpu.vector_load %arg7[%get3A, %get3A_188] {strides = array<i32>} : memref<100x128xf32, #tpu.memory_space<vmem>>, vector<1x16xf32>,
        %get3A_190 = vector.shape_cast %get3A_189 : vector<1x16xf32> to vector<16xf32>
        %add3A_191 = arith.addf %scan3A_181, %get3A_190 : vector<16xf32>
        %get3A_192 = arith.index_cast %scan3A_180 : i32 to index
        %get3A_193 = arith.constant 16 : index
        %get3A_194 = tpu.vector_load %arg7[%get3A_192, %get3A_193] {strides = array<i32>} : memref<100x128xf32, #tpu.memory_space<vmem>>, vector<1x16xf32>,
        %get3A_195 = vector.shape_cast %get3A_194 : vector<1x16xf32> to vector<16xf32>
        %add3A_196 = arith.addf %scan3A_182, %get3A_195 : vector<16xf32>
        %get3A_197 = arith.index_cast %scan3A_180 : i32 to index
        %get3A_198 = arith.constant 32 : index
        %get3A_199 = tpu.vector_load %arg7[%get3A_197, %get3A_198] {strides = array<i32>} : memref<100x128xf32, #tpu.memory_space<vmem>>, vector<1x16xf32>,
        %get3A_200 = vector.shape_cast %get3A_199 : vector<1x16xf32> to vector<16xf32>
        %add3A_201 = arith.addf %scan3A_183, %get3A_200 : vector<16xf32>
        %get3A_202 = arith.index_cast %scan3A_180 : i32 to index
        %get3A_203 = arith.constant 48 : index
        %get3A_204 = tpu.vector_load %arg7[%get3A_202, %get3A_203] {strides = array<i32>} : memref<100x128xf32, #tpu.memory_space<vmem>>, vector<1x16xf32>,
        %get3A_205 = vector.shape_cast %get3A_204 : vector<1x16xf32> to vector<16xf32>
        %add3A_206 = arith.addf %scan3A_184, %get3A_205 : vector<16xf32>
        %get3A_207 = arith.index_cast %scan3A_180 : i32 to index
        %get3A_208 = arith.constant 64 : index
        %get3A_209 = tpu.vector_load %arg7[%get3A_207, %get3A_208] {strides = array<i32>} : memref<100x128xf32, #tpu.memory_space<vmem>>, vector<1x16xf32>,
        %get3A_210 = vector.shape_cast %get3A_209 : vector<1x16xf32> to vector<16xf32>
        %add3A_211 = arith.addf %scan3A_185, %get3A_210 : vector<16xf32>
        %get3A_212 = arith.index_cast %scan3A_180 : i32 to index
        %get3A_213 = arith.constant 80 : index
        %get3A_214 = tpu.vector_load %arg7[%get3A_212, %get3A_213] {strides = array<i32>} : memref<100x128xf32, #tpu.memory_space<vmem>>, vector<1x16xf32>,
        %get3A_215 = vector.shape_cast %get3A_214 : vector<1x16xf32> to vector<16xf32>
        %add3A_216 = arith.addf %scan3A_186, %get3A_215 : vector<16xf32>
        %get3A_217 = arith.index_cast %scan3A_180 : i32 to index
        %get3A_218 = arith.constant 96 : index
        %get3A_219 = tpu.vector_load %arg7[%get3A_217, %get3A_218] {strides = array<i32>} : memref<100x128xf32, #tpu.memory_space<vmem>>, vector<1x16xf32>,
        %get3A_220 = vector.shape_cast %get3A_219 : vector<1x16xf32> to vector<16xf32>
        %add3A_221 = arith.addf %scan3A_187, %get3A_220 : vector<16xf32>
        %scan3A_222 = arith.constant 1 : i32
        %scan3A_223 = arith.addi %scan3A_180, %scan3A_222 : i32
        %get3A_224 = arith.index_cast %scan3A_223 : i32 to index
        %get3A_225 = arith.constant 0 : index
        %get3A_226 = tpu.vector_load %arg7[%get3A_224, %get3A_225] {strides = array<i32>} : memref<100x128xf32, #tpu.memory_space<vmem>>, vector<1x16xf32>,
        %get3A_227 = vector.shape_cast %get3A_226 : vector<1x16xf32> to vector<16xf32>
        %add3A_228 = arith.addf %add3A_191, %get3A_227 : vector<16xf32>
        %get3A_229 = arith.index_cast %scan3A_223 : i32 to index
        %get3A_230 = arith.constant 16 : index
        %get3A_231 = tpu.vector_load %arg7[%get3A_229, %get3A_230] {strides = array<i32>} : memref<100x128xf32, #tpu.memory_space<vmem>>, vector<1x16xf32>,
        %get3A_232 = vector.shape_cast %get3A_231 : vector<1x16xf32> to vector<16xf32>
        %add3A_233 = arith.addf %add3A_196, %get3A_232 : vector<16xf32>
        %get3A_234 = arith.index_cast %scan3A_223 : i32 to index
        %get3A_235 = arith.constant 32 : index
        %get3A_236 = tpu.vector_load %arg7[%get3A_234, %get3A_235] {strides = array<i32>} : memref<100x128xf32, #tpu.memory_space<vmem>>, vector<1x16xf32>,
        %get3A_237 = vector.shape_cast %get3A_236 : vector<1x16xf32> to vector<16xf32>
        %add3A_238 = arith.addf %add3A_201, %get3A_237 : vector<16xf32>
        %get3A_239 = arith.index_cast %scan3A_223 : i32 to index
        %get3A_240 = arith.constant 48 : index
        %get3A_241 = tpu.vector_load %arg7[%get3A_239, %get3A_240] {strides = array<i32>} : memref<100x128xf32, #tpu.memory_space<vmem>>, vector<1x16xf32>,
        %get3A_242 = vector.shape_cast %get3A_241 : vector<1x16xf32> to vector<16xf32>
        %add3A_243 = arith.addf %add3A_206, %get3A_242 : vector<16xf32>
        %get3A_244 = arith.index_cast %scan3A_223 : i32 to index
        %get3A_245 = arith.constant 64 : index
        %get3A_246 = tpu.vector_load %arg7[%get3A_244, %get3A_245] {strides = array<i32>} : memref<100x128xf32, #tpu.memory_space<vmem>>, vector<1x16xf32>,
        %get3A_247 = vector.shape_cast %get3A_246 : vector<1x16xf32> to vector<16xf32>
        %add3A_248 = arith.addf %add3A_211, %get3A_247 : vector<16xf32>
        %get3A_249 = arith.index_cast %scan3A_223 : i32 to index
        %get3A_250 = arith.constant 80 : index
        %get3A_251 = tpu.vector_load %arg7[%get3A_249, %get3A_250] {strides = array<i32>} : memref<100x128xf32, #tpu.memory_space<vmem>>, vector<1x16xf32>,
        %get3A_252 = vector.shape_cast %get3A_251 : vector<1x16xf32> to vector<16xf32>
        %add3A_253 = arith.addf %add3A_216, %get3A_252 : vector<16xf32>
        %get3A_254 = arith.index_cast %scan3A_223 : i32 to index
        %get3A_255 = arith.constant 96 : index
        %get3A_256 = tpu.vector_load %arg7[%get3A_254, %get3A_255] {strides = array<i32>} : memref<100x128xf32, #tpu.memory_space<vmem>>, vector<1x16xf32>,
        %get3A_257 = vector.shape_cast %get3A_256 : vector<1x16xf32> to vector<16xf32>
        %add3A_258 = arith.addf %add3A_221, %get3A_257 : vector<16xf32>
        %scan3A_259 = arith.constant 2 : i32
        %scan3A_260 = arith.addi %scan3A_180, %scan3A_259 : i32
        %get3A_261 = arith.index_cast %scan3A_260 : i32 to index
        %get3A_262 = arith.constant 0 : index
        %get3A_263 = tpu.vector_load %arg7[%get3A_261, %get3A_262] {strides = array<i32>} : memref<100x128xf32, #tpu.memory_space<vmem>>, vector<1x16xf32>,
        %get3A_264 = vector.shape_cast %get3A_263 : vector<1x16xf32> to vector<16xf32>
        %add3A_265 = arith.addf %add3A_228, %get3A_264 : vector<16xf32>
        %get3A_266 = arith.index_cast %scan3A_260 : i32 to index
        %get3A_267 = arith.constant 16 : index
        %get3A_268 = tpu.vector_load %arg7[%get3A_266, %get3A_267] {strides = array<i32>} : memref<100x128xf32, #tpu.memory_space<vmem>>, vector<1x16xf32>,
        %get3A_269 = vector.shape_cast %get3A_268 : vector<1x16xf32> to vector<16xf32>
        %add3A_270 = arith.addf %add3A_233, %get3A_269 : vector<16xf32>
        %get3A_271 = arith.index_cast %scan3A_260 : i32 to index
        %get3A_272 = arith.constant 32 : index
        %get3A_273 = tpu.vector_load %arg7[%get3A_271, %get3A_272] {strides = array<i32>} : memref<100x128xf32, #tpu.memory_space<vmem>>, vector<1x16xf32>,
        %get3A_274 = vector.shape_cast %get3A_273 : vector<1x16xf32> to vector<16xf32>
        %add3A_275 = arith.addf %add3A_238, %get3A_274 : vector<16xf32>
        %get3A_276 = arith.index_cast %scan3A_260 : i32 to index
        %get3A_277 = arith.constant 48 : index
        %get3A_278 = tpu.vector_load %arg7[%get3A_276, %get3A_277] {strides = array<i32>} : memref<100x128xf32, #tpu.memory_space<vmem>>, vector<1x16xf32>,
        %get3A_279 = vector.shape_cast %get3A_278 : vector<1x16xf32> to vector<16xf32>
        %add3A_280 = arith.addf %add3A_243, %get3A_279 : vector<16xf32>
        %get3A_281 = arith.index_cast %scan3A_260 : i32 to index
        %get3A_282 = arith.constant 64 : index
        %get3A_283 = tpu.vector_load %arg7[%get3A_281, %get3A_282] {strides = array<i32>} : memref<100x128xf32, #tpu.memory_space<vmem>>, vector<1x16xf32>,
        %get3A_284 = vector.shape_cast %get3A_283 : vector<1x16xf32> to vector<16xf32>
        %add3A_285 = arith.addf %add3A_248, %get3A_284 : vector<16xf32>
        %get3A_286 = arith.index_cast %scan3A_260 : i32 to index
        %get3A_287 = arith.constant 80 : index
        %get3A_288 = tpu.vector_load %arg7[%get3A_286, %get3A_287] {strides = array<i32>} : memref<100x128xf32, #tpu.memory_space<vmem>>, vector<1x16xf32>,
        %get3A_289 = vector.shape_cast %get3A_288 : vector<1x16xf32> to vector<16xf32>
        %add3A_290 = arith.addf %add3A_253, %get3A_289 : vector<16xf32>
        %get3A_291 = arith.index_cast %scan3A_260 : i32 to index
        %get3A_292 = arith.constant 96 : index
        %get3A_293 = tpu.vector_load %arg7[%get3A_291, %get3A_292] {strides = array<i32>} : memref<100x128xf32, #tpu.memory_space<vmem>>, vector<1x16xf32>,
        %get3A_294 = vector.shape_cast %get3A_293 : vector<1x16xf32> to vector<16xf32>
        %add3A_295 = arith.addf %add3A_258, %get3A_294 : vector<16xf32>
        %scan3A_296 = arith.constant 3 : i32
        %scan3A_297 = arith.addi %scan3A_180, %scan3A_296 : i32
        %get3A_298 = arith.index_cast %scan3A_297 : i32 to index
        %get3A_299 = arith.constant 0 : index
        %get3A_300 = tpu.vector_load %arg7[%get3A_298, %get3A_299] {strides = array<i32>} : memref<100x128xf32, #tpu.memory_space<vmem>>, vector<1x16xf32>,
        %get3A_301 = vector.shape_cast %get3A_300 : vector<1x16xf32> to vector<16xf32>
        %add3A_302 = arith.addf %add3A_265, %get3A_301 : vector<16xf32>
        %get3A_303 = arith.index_cast %scan3A_297 : i32 to index
        %get3A_304 = arith.constant 16 : index
        %get3A_305 = tpu.vector_load %arg7[%get3A_303, %get3A_304] {strides = array<i32>} : memref<100x128xf32, #tpu.memory_space<vmem>>, vector<1x16xf32>,
        %get3A_306 = vector.shape_cast %get3A_305 : vector<1x16xf32> to vector<16xf32>
        %add3A_307 = arith.addf %add3A_270, %get3A_306 : vector<16xf32>
        %get3A_308 = arith.index_cast %scan3A_297 : i32 to index
        %get3A_309 = arith.constant 32 : index
        %get3A_310 = tpu.vector_load %arg7[%get3A_308, %get3A_309] {strides = array<i32>} : memref<100x128xf32, #tpu.memory_space<vmem>>, vector<1x16xf32>,
        %get3A_311 = vector.shape_cast %get3A_310 : vector<1x16xf32> to vector<16xf32>
        %add3A_312 = arith.addf %add3A_275, %get3A_311 : vector<16xf32>
        %get3A_313 = arith.index_cast %scan3A_297 : i32 to index
        %get3A_314 = arith.constant 48 : index
        %get3A_315 = tpu.vector_load %arg7[%get3A_313, %get3A_314] {strides = array<i32>} : memref<100x128xf32, #tpu.memory_space<vmem>>, vector<1x16xf32>,
        %get3A_316 = vector.shape_cast %get3A_315 : vector<1x16xf32> to vector<16xf32>
        %add3A_317 = arith.addf %add3A_280, %get3A_316 : vector<16xf32>
        %get3A_318 = arith.index_cast %scan3A_297 : i32 to index
        %get3A_319 = arith.constant 64 : index
        %get3A_320 = tpu.vector_load %arg7[%get3A_318, %get3A_319] {strides = array<i32>} : memref<100x128xf32, #tpu.memory_space<vmem>>, vector<1x16xf32>,
        %get3A_321 = vector.shape_cast %get3A_320 : vector<1x16xf32> to vector<16xf32>
        %add3A_322 = arith.addf %add3A_285, %get3A_321 : vector<16xf32>
        %get3A_323 = arith.index_cast %scan3A_297 : i32 to index
        %get3A_324 = arith.constant 80 : index
        %get3A_325 = tpu.vector_load %arg7[%get3A_323, %get3A_324] {strides = array<i32>} : memref<100x128xf32, #tpu.memory_space<vmem>>, vector<1x16xf32>,
        %get3A_326 = vector.shape_cast %get3A_325 : vector<1x16xf32> to vector<16xf32>
        %add3A_327 = arith.addf %add3A_290, %get3A_326 : vector<16xf32>
        %get3A_328 = arith.index_cast %scan3A_297 : i32 to index
        %get3A_329 = arith.constant 96 : index
        %get3A_330 = tpu.vector_load %arg7[%get3A_328, %get3A_329] {strides = array<i32>} : memref<100x128xf32, #tpu.memory_space<vmem>>, vector<1x16xf32>,
        %get3A_331 = vector.shape_cast %get3A_330 : vector<1x16xf32> to vector<16xf32>
        %add3A_332 = arith.addf %add3A_295, %get3A_331 : vector<16xf32>
        scf.yield %add3A_302, %add3A_307, %add3A_312, %add3A_317, %add3A_322, %add3A_327, %add3A_332 : vector<16xf32>, vector<16xf32>, vector<16xf32>, vector<16xf32>, vector<16xf32>, vector<16xf32>, vector<16xf32>
      }
      %scan3A_131 = arith.constant 100 : i32
      %convert_element_type3A_132 = arith.extui %lt3A_105 : i1 to i32
      %cond3A_133 = arith.constant 0 : i32
      %cond3A_134 = arith.cmpi ne, %convert_element_type3A_132, %cond3A_133 : i32
      scf.if %cond3A_134 {
        %mul3A_180 = arith.constant 4 : i32
        %mul3A_181 = arith.muli %mul3A_180, %scan3A_95 : i32
        %add3A_182 = arith.constant 4 : i32
        %add3A_183 = arith.addi %mul3A_181, %add3A_182 : i32
        %add3A_184 = arith.constant 1 : i32
        %add3A_185 = arith.addi %add3A_183, %add3A_184 : i32
        %dma_start3A_186 = arith.constant 0 : i32
        %dma_start3A_187 = tpu.memref_slice %arg5[%add3A_185, %dma_start3A_186] : memref<256x100xi32, #tpu.memory_space<vmem>> -> memref<1x100xi32, #tpu.memory_space<vmem>>
        %dma_start3A_188 = tpu.memref_squeeze %dma_start3A_187 : memref<1x100xi32, #tpu.memory_space<vmem>> -> memref<100xi32, #tpu.memory_space<vmem>>
        %dma_start3A_189 = arith.constant 0 : i32
        %dma_start3A_190 = arith.constant 0 : i32
        %dma_start3A_191 = tpu.memref_slice %arg3[%dma_start3A_189, %dma_start3A_190] : memref<1000000x128xf32, #tpu.memory_space<hbm>> -> memref<1000000x128xf32, #tpu.memory_space<hbm>>
        tpu.enqueue_indirect_dma source(%dma_start3A_191 : memref<1000000x128xf32, #tpu.memory_space<hbm>>) target(%arg7 : memref<100x128xf32, #tpu.memory_space<vmem>>) offsets(%dma_start3A_188 : memref<100xi32, #tpu.memory_space<vmem>>) semaphore(%arg12 : memref<!tpu.dma_semaphore, #tpu.memory_space<semaphore_mem>>)
      } else {
      }
      %max3A = arith.maximumf %scan3A_96, %scan3A_130#0 : vector<16xf32>
      %max3A_135 = arith.maximumf %scan3A_97, %scan3A_130#1 : vector<16xf32>
      %max3A_136 = arith.maximumf %scan3A_98, %scan3A_130#2 : vector<16xf32>
      %max3A_137 = arith.maximumf %scan3A_99, %scan3A_130#3 : vector<16xf32>
      %max3A_138 = arith.maximumf %scan3A_100, %scan3A_130#4 : vector<16xf32>
      %max3A_139 = arith.maximumf %scan3A_101, %scan3A_130#5 : vector<16xf32>
      %max3A_140 = arith.maximumf %scan3A_102, %scan3A_130#6 : vector<16xf32>
      %dma_wait3A_141 = arith.constant 0 : i32
      %dma_wait3A_142 = arith.constant 0 : i32
      %dma_wait3A_143 = tpu.memref_slice %arg5[%dma_wait3A_141, %dma_wait3A_142] : memref<256x100xi32, #tpu.memory_space<vmem>> -> memref<1x100xi32, #tpu.memory_space<vmem>>
      %dma_wait3A_144 = tpu.memref_squeeze %dma_wait3A_143 : memref<1x100xi32, #tpu.memory_space<vmem>> -> memref<100xi32, #tpu.memory_space<vmem>>
      %dma_wait3A_145 = arith.constant 0 : i32
      %dma_wait3A_146 = arith.constant 0 : i32
      %dma_wait3A_147 = tpu.memref_slice %arg3[%dma_wait3A_145, %dma_wait3A_146] : memref<1000000x128xf32, #tpu.memory_space<hbm>> -> memref<1000000x128xf32, #tpu.memory_space<hbm>>
      tpu.wait_indirect_dma semaphore(%arg13 : memref<!tpu.dma_semaphore, #tpu.memory_space<semaphore_mem>>) src(%dma_wait3A_147 : memref<1000000x128xf32, #tpu.memory_space<hbm>>) dst(%arg8 : memref<100x128xf32, #tpu.memory_space<vmem>>)
      %scan3A_148 = arith.constant 0 : i32
      %scan3A_149 = arith.constant 100 : i32
      %scan3A_150 = arith.addi %scan3A_148, %scan3A_149 : i32
      %scan3A_151 = arith.constant 4 : i32
      %scan3A_152:7 = scf.for %scan3A_180 = %scan3A_148 to %scan3A_150 step %scan3A_151 iter_args(%scan3A_181 = %broadcast_in_dim3A_30, %scan3A_182 = %broadcast_in_dim3A_32, %scan3A_183 = %broadcast_in_dim3A_34, %scan3A_184 = %broadcast_in_dim3A_36, %scan3A_185 = %broadcast_in_dim3A_38, %scan3A_186 = %broadcast_in_dim3A_40, %scan3A_187 = %broadcast_in_dim3A_42) -> (vector<16xf32>, vector<16xf32>, vector<16xf32>, vector<16xf32>, vector<16xf32>, vector<16xf32>, vector<16xf32>)  : i32 {
        %get3A = arith.index_cast %scan3A_180 : i32 to index
        %get3A_188 = arith.constant 0 : index
        %get3A_189 = tpu.vector_load %arg8[%get3A, %get3A_188] {strides = array<i32>} : memref<100x128xf32, #tpu.memory_space<vmem>>, vector<1x16xf32>,
        %get3A_190 = vector.shape_cast %get3A_189 : vector<1x16xf32> to vector<16xf32>
        %add3A_191 = arith.addf %scan3A_181, %get3A_190 : vector<16xf32>
        %get3A_192 = arith.index_cast %scan3A_180 : i32 to index
        %get3A_193 = arith.constant 16 : index
        %get3A_194 = tpu.vector_load %arg8[%get3A_192, %get3A_193] {strides = array<i32>} : memref<100x128xf32, #tpu.memory_space<vmem>>, vector<1x16xf32>,
        %get3A_195 = vector.shape_cast %get3A_194 : vector<1x16xf32> to vector<16xf32>
        %add3A_196 = arith.addf %scan3A_182, %get3A_195 : vector<16xf32>
        %get3A_197 = arith.index_cast %scan3A_180 : i32 to index
        %get3A_198 = arith.constant 32 : index
        %get3A_199 = tpu.vector_load %arg8[%get3A_197, %get3A_198] {strides = array<i32>} : memref<100x128xf32, #tpu.memory_space<vmem>>, vector<1x16xf32>,
        %get3A_200 = vector.shape_cast %get3A_199 : vector<1x16xf32> to vector<16xf32>
        %add3A_201 = arith.addf %scan3A_183, %get3A_200 : vector<16xf32>
        %get3A_202 = arith.index_cast %scan3A_180 : i32 to index
        %get3A_203 = arith.constant 48 : index
        %get3A_204 = tpu.vector_load %arg8[%get3A_202, %get3A_203] {strides = array<i32>} : memref<100x128xf32, #tpu.memory_space<vmem>>, vector<1x16xf32>,
        %get3A_205 = vector.shape_cast %get3A_204 : vector<1x16xf32> to vector<16xf32>
        %add3A_206 = arith.addf %scan3A_184, %get3A_205 : vector<16xf32>
        %get3A_207 = arith.index_cast %scan3A_180 : i32 to index
        %get3A_208 = arith.constant 64 : index
        %get3A_209 = tpu.vector_load %arg8[%get3A_207, %get3A_208] {strides = array<i32>} : memref<100x128xf32, #tpu.memory_space<vmem>>, vector<1x16xf32>,
        %get3A_210 = vector.shape_cast %get3A_209 : vector<1x16xf32> to vector<16xf32>
        %add3A_211 = arith.addf %scan3A_185, %get3A_210 : vector<16xf32>
        %get3A_212 = arith.index_cast %scan3A_180 : i32 to index
        %get3A_213 = arith.constant 80 : index
        %get3A_214 = tpu.vector_load %arg8[%get3A_212, %get3A_213] {strides = array<i32>} : memref<100x128xf32, #tpu.memory_space<vmem>>, vector<1x16xf32>,
        %get3A_215 = vector.shape_cast %get3A_214 : vector<1x16xf32> to vector<16xf32>
        %add3A_216 = arith.addf %scan3A_186, %get3A_215 : vector<16xf32>
        %get3A_217 = arith.index_cast %scan3A_180 : i32 to index
        %get3A_218 = arith.constant 96 : index
        %get3A_219 = tpu.vector_load %arg8[%get3A_217, %get3A_218] {strides = array<i32>} : memref<100x128xf32, #tpu.memory_space<vmem>>, vector<1x16xf32>,
        %get3A_220 = vector.shape_cast %get3A_219 : vector<1x16xf32> to vector<16xf32>
        %add3A_221 = arith.addf %scan3A_187, %get3A_220 : vector<16xf32>
        %scan3A_222 = arith.constant 1 : i32
        %scan3A_223 = arith.addi %scan3A_180, %scan3A_222 : i32
        %get3A_224 = arith.index_cast %scan3A_223 : i32 to index
        %get3A_225 = arith.constant 0 : index
        %get3A_226 = tpu.vector_load %arg8[%get3A_224, %get3A_225] {strides = array<i32>} : memref<100x128xf32, #tpu.memory_space<vmem>>, vector<1x16xf32>,
        %get3A_227 = vector.shape_cast %get3A_226 : vector<1x16xf32> to vector<16xf32>
        %add3A_228 = arith.addf %add3A_191, %get3A_227 : vector<16xf32>
        %get3A_229 = arith.index_cast %scan3A_223 : i32 to index
        %get3A_230 = arith.constant 16 : index
        %get3A_231 = tpu.vector_load %arg8[%get3A_229, %get3A_230] {strides = array<i32>} : memref<100x128xf32, #tpu.memory_space<vmem>>, vector<1x16xf32>,
        %get3A_232 = vector.shape_cast %get3A_231 : vector<1x16xf32> to vector<16xf32>
        %add3A_233 = arith.addf %add3A_196, %get3A_232 : vector<16xf32>
        %get3A_234 = arith.index_cast %scan3A_223 : i32 to index
        %get3A_235 = arith.constant 32 : index
        %get3A_236 = tpu.vector_load %arg8[%get3A_234, %get3A_235] {strides = array<i32>} : memref<100x128xf32, #tpu.memory_space<vmem>>, vector<1x16xf32>,
        %get3A_237 = vector.shape_cast %get3A_236 : vector<1x16xf32> to vector<16xf32>
        %add3A_238 = arith.addf %add3A_201, %get3A_237 : vector<16xf32>
        %get3A_239 = arith.index_cast %scan3A_223 : i32 to index
        %get3A_240 = arith.constant 48 : index
        %get3A_241 = tpu.vector_load %arg8[%get3A_239, %get3A_240] {strides = array<i32>} : memref<100x128xf32, #tpu.memory_space<vmem>>, vector<1x16xf32>,
        %get3A_242 = vector.shape_cast %get3A_241 : vector<1x16xf32> to vector<16xf32>
        %add3A_243 = arith.addf %add3A_206, %get3A_242 : vector<16xf32>
        %get3A_244 = arith.index_cast %scan3A_223 : i32 to index
        %get3A_245 = arith.constant 64 : index
        %get3A_246 = tpu.vector_load %arg8[%get3A_244, %get3A_245] {strides = array<i32>} : memref<100x128xf32, #tpu.memory_space<vmem>>, vector<1x16xf32>,
        %get3A_247 = vector.shape_cast %get3A_246 : vector<1x16xf32> to vector<16xf32>
        %add3A_248 = arith.addf %add3A_211, %get3A_247 : vector<16xf32>
        %get3A_249 = arith.index_cast %scan3A_223 : i32 to index
        %get3A_250 = arith.constant 80 : index
        %get3A_251 = tpu.vector_load %arg8[%get3A_249, %get3A_250] {strides = array<i32>} : memref<100x128xf32, #tpu.memory_space<vmem>>, vector<1x16xf32>,
        %get3A_252 = vector.shape_cast %get3A_251 : vector<1x16xf32> to vector<16xf32>
        %add3A_253 = arith.addf %add3A_216, %get3A_252 : vector<16xf32>
        %get3A_254 = arith.index_cast %scan3A_223 : i32 to index
        %get3A_255 = arith.constant 96 : index
        %get3A_256 = tpu.vector_load %arg8[%get3A_254, %get3A_255] {strides = array<i32>} : memref<100x128xf32, #tpu.memory_space<vmem>>, vector<1x16xf32>,
        %get3A_257 = vector.shape_cast %get3A_256 : vector<1x16xf32> to vector<16xf32>
        %add3A_258 = arith.addf %add3A_221, %get3A_257 : vector<16xf32>
        %scan3A_259 = arith.constant 2 : i32
        %scan3A_260 = arith.addi %scan3A_180, %scan3A_259 : i32
        %get3A_261 = arith.index_cast %scan3A_260 : i32 to index
        %get3A_262 = arith.constant 0 : index
        %get3A_263 = tpu.vector_load %arg8[%get3A_261, %get3A_262] {strides = array<i32>} : memref<100x128xf32, #tpu.memory_space<vmem>>, vector<1x16xf32>,
        %get3A_264 = vector.shape_cast %get3A_263 : vector<1x16xf32> to vector<16xf32>
        %add3A_265 = arith.addf %add3A_228, %get3A_264 : vector<16xf32>
        %get3A_266 = arith.index_cast %scan3A_260 : i32 to index
        %get3A_267 = arith.constant 16 : index
        %get3A_268 = tpu.vector_load %arg8[%get3A_266, %get3A_267] {strides = array<i32>} : memref<100x128xf32, #tpu.memory_space<vmem>>, vector<1x16xf32>,
        %get3A_269 = vector.shape_cast %get3A_268 : vector<1x16xf32> to vector<16xf32>
        %add3A_270 = arith.addf %add3A_233, %get3A_269 : vector<16xf32>
        %get3A_271 = arith.index_cast %scan3A_260 : i32 to index
        %get3A_272 = arith.constant 32 : index
        %get3A_273 = tpu.vector_load %arg8[%get3A_271, %get3A_272] {strides = array<i32>} : memref<100x128xf32, #tpu.memory_space<vmem>>, vector<1x16xf32>,
        %get3A_274 = vector.shape_cast %get3A_273 : vector<1x16xf32> to vector<16xf32>
        %add3A_275 = arith.addf %add3A_238, %get3A_274 : vector<16xf32>
        %get3A_276 = arith.index_cast %scan3A_260 : i32 to index
        %get3A_277 = arith.constant 48 : index
        %get3A_278 = tpu.vector_load %arg8[%get3A_276, %get3A_277] {strides = array<i32>} : memref<100x128xf32, #tpu.memory_space<vmem>>, vector<1x16xf32>,
        %get3A_279 = vector.shape_cast %get3A_278 : vector<1x16xf32> to vector<16xf32>
        %add3A_280 = arith.addf %add3A_243, %get3A_279 : vector<16xf32>
        %get3A_281 = arith.index_cast %scan3A_260 : i32 to index
        %get3A_282 = arith.constant 64 : index
        %get3A_283 = tpu.vector_load %arg8[%get3A_281, %get3A_282] {strides = array<i32>} : memref<100x128xf32, #tpu.memory_space<vmem>>, vector<1x16xf32>,
        %get3A_284 = vector.shape_cast %get3A_283 : vector<1x16xf32> to vector<16xf32>
        %add3A_285 = arith.addf %add3A_248, %get3A_284 : vector<16xf32>
        %get3A_286 = arith.index_cast %scan3A_260 : i32 to index
        %get3A_287 = arith.constant 80 : index
        %get3A_288 = tpu.vector_load %arg8[%get3A_286, %get3A_287] {strides = array<i32>} : memref<100x128xf32, #tpu.memory_space<vmem>>, vector<1x16xf32>,
        %get3A_289 = vector.shape_cast %get3A_288 : vector<1x16xf32> to vector<16xf32>
        %add3A_290 = arith.addf %add3A_253, %get3A_289 : vector<16xf32>
        %get3A_291 = arith.index_cast %scan3A_260 : i32 to index
        %get3A_292 = arith.constant 96 : index
        %get3A_293 = tpu.vector_load %arg8[%get3A_291, %get3A_292] {strides = array<i32>} : memref<100x128xf32, #tpu.memory_space<vmem>>, vector<1x16xf32>,
        %get3A_294 = vector.shape_cast %get3A_293 : vector<1x16xf32> to vector<16xf32>
        %add3A_295 = arith.addf %add3A_258, %get3A_294 : vector<16xf32>
        %scan3A_296 = arith.constant 3 : i32
        %scan3A_297 = arith.addi %scan3A_180, %scan3A_296 : i32
        %get3A_298 = arith.index_cast %scan3A_297 : i32 to index
        %get3A_299 = arith.constant 0 : index
        %get3A_300 = tpu.vector_load %arg8[%get3A_298, %get3A_299] {strides = array<i32>} : memref<100x128xf32, #tpu.memory_space<vmem>>, vector<1x16xf32>,
        %get3A_301 = vector.shape_cast %get3A_300 : vector<1x16xf32> to vector<16xf32>
        %add3A_302 = arith.addf %add3A_265, %get3A_301 : vector<16xf32>
        %get3A_303 = arith.index_cast %scan3A_297 : i32 to index
        %get3A_304 = arith.constant 16 : index
        %get3A_305 = tpu.vector_load %arg8[%get3A_303, %get3A_304] {strides = array<i32>} : memref<100x128xf32, #tpu.memory_space<vmem>>, vector<1x16xf32>,
        %get3A_306 = vector.shape_cast %get3A_305 : vector<1x16xf32> to vector<16xf32>
        %add3A_307 = arith.addf %add3A_270, %get3A_306 : vector<16xf32>
        %get3A_308 = arith.index_cast %scan3A_297 : i32 to index
        %get3A_309 = arith.constant 32 : index
        %get3A_310 = tpu.vector_load %arg8[%get3A_308, %get3A_309] {strides = array<i32>} : memref<100x128xf32, #tpu.memory_space<vmem>>, vector<1x16xf32>,
        %get3A_311 = vector.shape_cast %get3A_310 : vector<1x16xf32> to vector<16xf32>
        %add3A_312 = arith.addf %add3A_275, %get3A_311 : vector<16xf32>
        %get3A_313 = arith.index_cast %scan3A_297 : i32 to index
        %get3A_314 = arith.constant 48 : index
        %get3A_315 = tpu.vector_load %arg8[%get3A_313, %get3A_314] {strides = array<i32>} : memref<100x128xf32, #tpu.memory_space<vmem>>, vector<1x16xf32>,
        %get3A_316 = vector.shape_cast %get3A_315 : vector<1x16xf32> to vector<16xf32>
        %add3A_317 = arith.addf %add3A_280, %get3A_316 : vector<16xf32>
        %get3A_318 = arith.index_cast %scan3A_297 : i32 to index
        %get3A_319 = arith.constant 64 : index
        %get3A_320 = tpu.vector_load %arg8[%get3A_318, %get3A_319] {strides = array<i32>} : memref<100x128xf32, #tpu.memory_space<vmem>>, vector<1x16xf32>,
        %get3A_321 = vector.shape_cast %get3A_320 : vector<1x16xf32> to vector<16xf32>
        %add3A_322 = arith.addf %add3A_285, %get3A_321 : vector<16xf32>
        %get3A_323 = arith.index_cast %scan3A_297 : i32 to index
        %get3A_324 = arith.constant 80 : index
        %get3A_325 = tpu.vector_load %arg8[%get3A_323, %get3A_324] {strides = array<i32>} : memref<100x128xf32, #tpu.memory_space<vmem>>, vector<1x16xf32>,
        %get3A_326 = vector.shape_cast %get3A_325 : vector<1x16xf32> to vector<16xf32>
        %add3A_327 = arith.addf %add3A_290, %get3A_326 : vector<16xf32>
        %get3A_328 = arith.index_cast %scan3A_297 : i32 to index
        %get3A_329 = arith.constant 96 : index
        %get3A_330 = tpu.vector_load %arg8[%get3A_328, %get3A_329] {strides = array<i32>} : memref<100x128xf32, #tpu.memory_space<vmem>>, vector<1x16xf32>,
        %get3A_331 = vector.shape_cast %get3A_330 : vector<1x16xf32> to vector<16xf32>
        %add3A_332 = arith.addf %add3A_295, %get3A_331 : vector<16xf32>
        scf.yield %add3A_302, %add3A_307, %add3A_312, %add3A_317, %add3A_322, %add3A_327, %add3A_332 : vector<16xf32>, vector<16xf32>, vector<16xf32>, vector<16xf32>, vector<16xf32>, vector<16xf32>, vector<16xf32>
      }
      %scan3A_153 = arith.constant 100 : i32
      %convert_element_type3A_154 = arith.extui %lt3A_105 : i1 to i32
      %cond3A_155 = arith.constant 0 : i32
      %cond3A_156 = arith.cmpi ne, %convert_element_type3A_154, %cond3A_155 : i32
      scf.if %cond3A_156 {
        %mul3A_180 = arith.constant 4 : i32
        %mul3A_181 = arith.muli %mul3A_180, %scan3A_95 : i32
        %add3A_182 = arith.constant 4 : i32
        %add3A_183 = arith.addi %mul3A_181, %add3A_182 : i32
        %add3A_184 = arith.constant 2 : i32
        %add3A_185 = arith.addi %add3A_183, %add3A_184 : i32
        %dma_start3A_186 = arith.constant 0 : i32
        %dma_start3A_187 = tpu.memref_slice %arg5[%add3A_185, %dma_start3A_186] : memref<256x100xi32, #tpu.memory_space<vmem>> -> memref<1x100xi32, #tpu.memory_space<vmem>>
        %dma_start3A_188 = tpu.memref_squeeze %dma_start3A_187 : memref<1x100xi32, #tpu.memory_space<vmem>> -> memref<100xi32, #tpu.memory_space<vmem>>
        %dma_start3A_189 = arith.constant 0 : i32
        %dma_start3A_190 = arith.constant 0 : i32
        %dma_start3A_191 = tpu.memref_slice %arg3[%dma_start3A_189, %dma_start3A_190] : memref<1000000x128xf32, #tpu.memory_space<hbm>> -> memref<1000000x128xf32, #tpu.memory_space<hbm>>
        tpu.enqueue_indirect_dma source(%dma_start3A_191 : memref<1000000x128xf32, #tpu.memory_space<hbm>>) target(%arg8 : memref<100x128xf32, #tpu.memory_space<vmem>>) offsets(%dma_start3A_188 : memref<100xi32, #tpu.memory_space<vmem>>) semaphore(%arg13 : memref<!tpu.dma_semaphore, #tpu.memory_space<semaphore_mem>>)
      } else {
      }
      %dma_wait3A_157 = arith.constant 0 : i32
      %dma_wait3A_158 = arith.constant 0 : i32
      %dma_wait3A_159 = tpu.memref_slice %arg5[%dma_wait3A_157, %dma_wait3A_158] : memref<256x100xi32, #tpu.memory_space<vmem>> -> memref<1x100xi32, #tpu.memory_space<vmem>>
      %dma_wait3A_160 = tpu.memref_squeeze %dma_wait3A_159 : memref<1x100xi32, #tpu.memory_space<vmem>> -> memref<100xi32, #tpu.memory_space<vmem>>
      %dma_wait3A_161 = arith.constant 0 : i32
      %dma_wait3A_162 = arith.constant 0 : i32
      %dma_wait3A_163 = tpu.memref_slice %arg3[%dma_wait3A_161, %dma_wait3A_162] : memref<1000000x128xf32, #tpu.memory_space<hbm>> -> memref<1000000x128xf32, #tpu.memory_space<hbm>>
      tpu.wait_indirect_dma semaphore(%arg14 : memref<!tpu.dma_semaphore, #tpu.memory_space<semaphore_mem>>) src(%dma_wait3A_163 : memref<1000000x128xf32, #tpu.memory_space<hbm>>) dst(%arg9 : memref<100x128xf32, #tpu.memory_space<vmem>>)
      %scan3A_164 = arith.constant 0 : i32
      %scan3A_165 = arith.constant 100 : i32
      %scan3A_166 = arith.addi %scan3A_164, %scan3A_165 : i32
      %scan3A_167 = arith.constant 4 : i32
      %scan3A_168:7 = scf.for %scan3A_180 = %scan3A_164 to %scan3A_166 step %scan3A_167 iter_args(%scan3A_181 = %scan3A_152#0, %scan3A_182 = %scan3A_152#1, %scan3A_183 = %scan3A_152#2, %scan3A_184 = %scan3A_152#3, %scan3A_185 = %scan3A_152#4, %scan3A_186 = %scan3A_152#5, %scan3A_187 = %scan3A_152#6) -> (vector<16xf32>, vector<16xf32>, vector<16xf32>, vector<16xf32>, vector<16xf32>, vector<16xf32>, vector<16xf32>)  : i32 {
        %get3A = arith.index_cast %scan3A_180 : i32 to index
        %get3A_188 = arith.constant 0 : index
        %get3A_189 = tpu.vector_load %arg9[%get3A, %get3A_188] {strides = array<i32>} : memref<100x128xf32, #tpu.memory_space<vmem>>, vector<1x16xf32>,
        %get3A_190 = vector.shape_cast %get3A_189 : vector<1x16xf32> to vector<16xf32>
        %add3A_191 = arith.addf %scan3A_181, %get3A_190 : vector<16xf32>
        %get3A_192 = arith.index_cast %scan3A_180 : i32 to index
        %get3A_193 = arith.constant 16 : index
        %get3A_194 = tpu.vector_load %arg9[%get3A_192, %get3A_193] {strides = array<i32>} : memref<100x128xf32, #tpu.memory_space<vmem>>, vector<1x16xf32>,
        %get3A_195 = vector.shape_cast %get3A_194 : vector<1x16xf32> to vector<16xf32>
        %add3A_196 = arith.addf %scan3A_182, %get3A_195 : vector<16xf32>
        %get3A_197 = arith.index_cast %scan3A_180 : i32 to index
        %get3A_198 = arith.constant 32 : index
        %get3A_199 = tpu.vector_load %arg9[%get3A_197, %get3A_198] {strides = array<i32>} : memref<100x128xf32, #tpu.memory_space<vmem>>, vector<1x16xf32>,
        %get3A_200 = vector.shape_cast %get3A_199 : vector<1x16xf32> to vector<16xf32>
        %add3A_201 = arith.addf %scan3A_183, %get3A_200 : vector<16xf32>
        %get3A_202 = arith.index_cast %scan3A_180 : i32 to index
        %get3A_203 = arith.constant 48 : index
        %get3A_204 = tpu.vector_load %arg9[%get3A_202, %get3A_203] {strides = array<i32>} : memref<100x128xf32, #tpu.memory_space<vmem>>, vector<1x16xf32>,
        %get3A_205 = vector.shape_cast %get3A_204 : vector<1x16xf32> to vector<16xf32>
        %add3A_206 = arith.addf %scan3A_184, %get3A_205 : vector<16xf32>
        %get3A_207 = arith.index_cast %scan3A_180 : i32 to index
        %get3A_208 = arith.constant 64 : index
        %get3A_209 = tpu.vector_load %arg9[%get3A_207, %get3A_208] {strides = array<i32>} : memref<100x128xf32, #tpu.memory_space<vmem>>, vector<1x16xf32>,
        %get3A_210 = vector.shape_cast %get3A_209 : vector<1x16xf32> to vector<16xf32>
        %add3A_211 = arith.addf %scan3A_185, %get3A_210 : vector<16xf32>
        %get3A_212 = arith.index_cast %scan3A_180 : i32 to index
        %get3A_213 = arith.constant 80 : index
        %get3A_214 = tpu.vector_load %arg9[%get3A_212, %get3A_213] {strides = array<i32>} : memref<100x128xf32, #tpu.memory_space<vmem>>, vector<1x16xf32>,
        %get3A_215 = vector.shape_cast %get3A_214 : vector<1x16xf32> to vector<16xf32>
        %add3A_216 = arith.addf %scan3A_186, %get3A_215 : vector<16xf32>
        %get3A_217 = arith.index_cast %scan3A_180 : i32 to index
        %get3A_218 = arith.constant 96 : index
        %get3A_219 = tpu.vector_load %arg9[%get3A_217, %get3A_218] {strides = array<i32>} : memref<100x128xf32, #tpu.memory_space<vmem>>, vector<1x16xf32>,
        %get3A_220 = vector.shape_cast %get3A_219 : vector<1x16xf32> to vector<16xf32>
        %add3A_221 = arith.addf %scan3A_187, %get3A_220 : vector<16xf32>
        %scan3A_222 = arith.constant 1 : i32
        %scan3A_223 = arith.addi %scan3A_180, %scan3A_222 : i32
        %get3A_224 = arith.index_cast %scan3A_223 : i32 to index
        %get3A_225 = arith.constant 0 : index
        %get3A_226 = tpu.vector_load %arg9[%get3A_224, %get3A_225] {strides = array<i32>} : memref<100x128xf32, #tpu.memory_space<vmem>>, vector<1x16xf32>,
        %get3A_227 = vector.shape_cast %get3A_226 : vector<1x16xf32> to vector<16xf32>
        %add3A_228 = arith.addf %add3A_191, %get3A_227 : vector<16xf32>
        %get3A_229 = arith.index_cast %scan3A_223 : i32 to index
        %get3A_230 = arith.constant 16 : index
        %get3A_231 = tpu.vector_load %arg9[%get3A_229, %get3A_230] {strides = array<i32>} : memref<100x128xf32, #tpu.memory_space<vmem>>, vector<1x16xf32>,
        %get3A_232 = vector.shape_cast %get3A_231 : vector<1x16xf32> to vector<16xf32>
        %add3A_233 = arith.addf %add3A_196, %get3A_232 : vector<16xf32>
        %get3A_234 = arith.index_cast %scan3A_223 : i32 to index
        %get3A_235 = arith.constant 32 : index
        %get3A_236 = tpu.vector_load %arg9[%get3A_234, %get3A_235] {strides = array<i32>} : memref<100x128xf32, #tpu.memory_space<vmem>>, vector<1x16xf32>,
        %get3A_237 = vector.shape_cast %get3A_236 : vector<1x16xf32> to vector<16xf32>
        %add3A_238 = arith.addf %add3A_201, %get3A_237 : vector<16xf32>
        %get3A_239 = arith.index_cast %scan3A_223 : i32 to index
        %get3A_240 = arith.constant 48 : index
        %get3A_241 = tpu.vector_load %arg9[%get3A_239, %get3A_240] {strides = array<i32>} : memref<100x128xf32, #tpu.memory_space<vmem>>, vector<1x16xf32>,
        %get3A_242 = vector.shape_cast %get3A_241 : vector<1x16xf32> to vector<16xf32>
        %add3A_243 = arith.addf %add3A_206, %get3A_242 : vector<16xf32>
        %get3A_244 = arith.index_cast %scan3A_223 : i32 to index
        %get3A_245 = arith.constant 64 : index
        %get3A_246 = tpu.vector_load %arg9[%get3A_244, %get3A_245] {strides = array<i32>} : memref<100x128xf32, #tpu.memory_space<vmem>>, vector<1x16xf32>,
        %get3A_247 = vector.shape_cast %get3A_246 : vector<1x16xf32> to vector<16xf32>
        %add3A_248 = arith.addf %add3A_211, %get3A_247 : vector<16xf32>
        %get3A_249 = arith.index_cast %scan3A_223 : i32 to index
        %get3A_250 = arith.constant 80 : index
        %get3A_251 = tpu.vector_load %arg9[%get3A_249, %get3A_250] {strides = array<i32>} : memref<100x128xf32, #tpu.memory_space<vmem>>, vector<1x16xf32>,
        %get3A_252 = vector.shape_cast %get3A_251 : vector<1x16xf32> to vector<16xf32>
        %add3A_253 = arith.addf %add3A_216, %get3A_252 : vector<16xf32>
        %get3A_254 = arith.index_cast %scan3A_223 : i32 to index
        %get3A_255 = arith.constant 96 : index
        %get3A_256 = tpu.vector_load %arg9[%get3A_254, %get3A_255] {strides = array<i32>} : memref<100x128xf32, #tpu.memory_space<vmem>>, vector<1x16xf32>,
        %get3A_257 = vector.shape_cast %get3A_256 : vector<1x16xf32> to vector<16xf32>
        %add3A_258 = arith.addf %add3A_221, %get3A_257 : vector<16xf32>
        %scan3A_259 = arith.constant 2 : i32
        %scan3A_260 = arith.addi %scan3A_180, %scan3A_259 : i32
        %get3A_261 = arith.index_cast %scan3A_260 : i32 to index
        %get3A_262 = arith.constant 0 : index
        %get3A_263 = tpu.vector_load %arg9[%get3A_261, %get3A_262] {strides = array<i32>} : memref<100x128xf32, #tpu.memory_space<vmem>>, vector<1x16xf32>,
        %get3A_264 = vector.shape_cast %get3A_263 : vector<1x16xf32> to vector<16xf32>
        %add3A_265 = arith.addf %add3A_228, %get3A_264 : vector<16xf32>
        %get3A_266 = arith.index_cast %scan3A_260 : i32 to index
        %get3A_267 = arith.constant 16 : index
        %get3A_268 = tpu.vector_load %arg9[%get3A_266, %get3A_267] {strides = array<i32>} : memref<100x128xf32, #tpu.memory_space<vmem>>, vector<1x16xf32>,
        %get3A_269 = vector.shape_cast %get3A_268 : vector<1x16xf32> to vector<16xf32>
        %add3A_270 = arith.addf %add3A_233, %get3A_269 : vector<16xf32>
        %get3A_271 = arith.index_cast %scan3A_260 : i32 to index
        %get3A_272 = arith.constant 32 : index
        %get3A_273 = tpu.vector_load %arg9[%get3A_271, %get3A_272] {strides = array<i32>} : memref<100x128xf32, #tpu.memory_space<vmem>>, vector<1x16xf32>,
        %get3A_274 = vector.shape_cast %get3A_273 : vector<1x16xf32> to vector<16xf32>
        %add3A_275 = arith.addf %add3A_238, %get3A_274 : vector<16xf32>
        %get3A_276 = arith.index_cast %scan3A_260 : i32 to index
        %get3A_277 = arith.constant 48 : index
        %get3A_278 = tpu.vector_load %arg9[%get3A_276, %get3A_277] {strides = array<i32>} : memref<100x128xf32, #tpu.memory_space<vmem>>, vector<1x16xf32>,
        %get3A_279 = vector.shape_cast %get3A_278 : vector<1x16xf32> to vector<16xf32>
        %add3A_280 = arith.addf %add3A_243, %get3A_279 : vector<16xf32>
        %get3A_281 = arith.index_cast %scan3A_260 : i32 to index
        %get3A_282 = arith.constant 64 : index
        %get3A_283 = tpu.vector_load %arg9[%get3A_281, %get3A_282] {strides = array<i32>} : memref<100x128xf32, #tpu.memory_space<vmem>>, vector<1x16xf32>,
        %get3A_284 = vector.shape_cast %get3A_283 : vector<1x16xf32> to vector<16xf32>
        %add3A_285 = arith.addf %add3A_248, %get3A_284 : vector<16xf32>
        %get3A_286 = arith.index_cast %scan3A_260 : i32 to index
        %get3A_287 = arith.constant 80 : index
        %get3A_288 = tpu.vector_load %arg9[%get3A_286, %get3A_287] {strides = array<i32>} : memref<100x128xf32, #tpu.memory_space<vmem>>, vector<1x16xf32>,
        %get3A_289 = vector.shape_cast %get3A_288 : vector<1x16xf32> to vector<16xf32>
        %add3A_290 = arith.addf %add3A_253, %get3A_289 : vector<16xf32>
        %get3A_291 = arith.index_cast %scan3A_260 : i32 to index
        %get3A_292 = arith.constant 96 : index
        %get3A_293 = tpu.vector_load %arg9[%get3A_291, %get3A_292] {strides = array<i32>} : memref<100x128xf32, #tpu.memory_space<vmem>>, vector<1x16xf32>,
        %get3A_294 = vector.shape_cast %get3A_293 : vector<1x16xf32> to vector<16xf32>
        %add3A_295 = arith.addf %add3A_258, %get3A_294 : vector<16xf32>
        %scan3A_296 = arith.constant 3 : i32
        %scan3A_297 = arith.addi %scan3A_180, %scan3A_296 : i32
        %get3A_298 = arith.index_cast %scan3A_297 : i32 to index
        %get3A_299 = arith.constant 0 : index
        %get3A_300 = tpu.vector_load %arg9[%get3A_298, %get3A_299] {strides = array<i32>} : memref<100x128xf32, #tpu.memory_space<vmem>>, vector<1x16xf32>,
        %get3A_301 = vector.shape_cast %get3A_300 : vector<1x16xf32> to vector<16xf32>
        %add3A_302 = arith.addf %add3A_265, %get3A_301 : vector<16xf32>
        %get3A_303 = arith.index_cast %scan3A_297 : i32 to index
        %get3A_304 = arith.constant 16 : index
        %get3A_305 = tpu.vector_load %arg9[%get3A_303, %get3A_304] {strides = array<i32>} : memref<100x128xf32, #tpu.memory_space<vmem>>, vector<1x16xf32>,
        %get3A_306 = vector.shape_cast %get3A_305 : vector<1x16xf32> to vector<16xf32>
        %add3A_307 = arith.addf %add3A_270, %get3A_306 : vector<16xf32>
        %get3A_308 = arith.index_cast %scan3A_297 : i32 to index
        %get3A_309 = arith.constant 32 : index
        %get3A_310 = tpu.vector_load %arg9[%get3A_308, %get3A_309] {strides = array<i32>} : memref<100x128xf32, #tpu.memory_space<vmem>>, vector<1x16xf32>,
        %get3A_311 = vector.shape_cast %get3A_310 : vector<1x16xf32> to vector<16xf32>
        %add3A_312 = arith.addf %add3A_275, %get3A_311 : vector<16xf32>
        %get3A_313 = arith.index_cast %scan3A_297 : i32 to index
        %get3A_314 = arith.constant 48 : index
        %get3A_315 = tpu.vector_load %arg9[%get3A_313, %get3A_314] {strides = array<i32>} : memref<100x128xf32, #tpu.memory_space<vmem>>, vector<1x16xf32>,
        %get3A_316 = vector.shape_cast %get3A_315 : vector<1x16xf32> to vector<16xf32>
        %add3A_317 = arith.addf %add3A_280, %get3A_316 : vector<16xf32>
        %get3A_318 = arith.index_cast %scan3A_297 : i32 to index
        %get3A_319 = arith.constant 64 : index
        %get3A_320 = tpu.vector_load %arg9[%get3A_318, %get3A_319] {strides = array<i32>} : memref<100x128xf32, #tpu.memory_space<vmem>>, vector<1x16xf32>,
        %get3A_321 = vector.shape_cast %get3A_320 : vector<1x16xf32> to vector<16xf32>
        %add3A_322 = arith.addf %add3A_285, %get3A_321 : vector<16xf32>
        %get3A_323 = arith.index_cast %scan3A_297 : i32 to index
        %get3A_324 = arith.constant 80 : index
        %get3A_325 = tpu.vector_load %arg9[%get3A_323, %get3A_324] {strides = array<i32>} : memref<100x128xf32, #tpu.memory_space<vmem>>, vector<1x16xf32>,
        %get3A_326 = vector.shape_cast %get3A_325 : vector<1x16xf32> to vector<16xf32>
        %add3A_327 = arith.addf %add3A_290, %get3A_326 : vector<16xf32>
        %get3A_328 = arith.index_cast %scan3A_297 : i32 to index
        %get3A_329 = arith.constant 96 : index
        %get3A_330 = tpu.vector_load %arg9[%get3A_328, %get3A_329] {strides = array<i32>} : memref<100x128xf32, #tpu.memory_space<vmem>>, vector<1x16xf32>,
        %get3A_331 = vector.shape_cast %get3A_330 : vector<1x16xf32> to vector<16xf32>
        %add3A_332 = arith.addf %add3A_295, %get3A_331 : vector<16xf32>
        scf.yield %add3A_302, %add3A_307, %add3A_312, %add3A_317, %add3A_322, %add3A_327, %add3A_332 : vector<16xf32>, vector<16xf32>, vector<16xf32>, vector<16xf32>, vector<16xf32>, vector<16xf32>, vector<16xf32>
      }
      %scan3A_169 = arith.constant 100 : i32
      %convert_element_type3A_170 = arith.extui %lt3A_105 : i1 to i32
      %cond3A_171 = arith.constant 0 : i32
      %cond3A_172 = arith.cmpi ne, %convert_element_type3A_170, %cond3A_171 : i32
      scf.if %cond3A_172 {
        %mul3A_180 = arith.constant 4 : i32
        %mul3A_181 = arith.muli %mul3A_180, %scan3A_95 : i32
        %add3A_182 = arith.constant 4 : i32
        %add3A_183 = arith.addi %mul3A_181, %add3A_182 : i32
        %add3A_184 = arith.constant 3 : i32
        %add3A_185 = arith.addi %add3A_183, %add3A_184 : i32
        %dma_start3A_186 = arith.constant 0 : i32
        %dma_start3A_187 = tpu.memref_slice %arg5[%add3A_185, %dma_start3A_186] : memref<256x100xi32, #tpu.memory_space<vmem>> -> memref<1x100xi32, #tpu.memory_space<vmem>>
        %dma_start3A_188 = tpu.memref_squeeze %dma_start3A_187 : memref<1x100xi32, #tpu.memory_space<vmem>> -> memref<100xi32, #tpu.memory_space<vmem>>
        %dma_start3A_189 = arith.constant 0 : i32
        %dma_start3A_190 = arith.constant 0 : i32
        %dma_start3A_191 = tpu.memref_slice %arg3[%dma_start3A_189, %dma_start3A_190] : memref<1000000x128xf32, #tpu.memory_space<hbm>> -> memref<1000000x128xf32, #tpu.memory_space<hbm>>
        tpu.enqueue_indirect_dma source(%dma_start3A_191 : memref<1000000x128xf32, #tpu.memory_space<hbm>>) target(%arg9 : memref<100x128xf32, #tpu.memory_space<vmem>>) offsets(%dma_start3A_188 : memref<100xi32, #tpu.memory_space<vmem>>) semaphore(%arg14 : memref<!tpu.dma_semaphore, #tpu.memory_space<semaphore_mem>>)
      } else {
      }
      %max3A_173 = arith.maximumf %max3A, %scan3A_168#0 : vector<16xf32>
      %max3A_174 = arith.maximumf %max3A_135, %scan3A_168#1 : vector<16xf32>
      %max3A_175 = arith.maximumf %max3A_136, %scan3A_168#2 : vector<16xf32>
      %max3A_176 = arith.maximumf %max3A_137, %scan3A_168#3 : vector<16xf32>
      %max3A_177 = arith.maximumf %max3A_138, %scan3A_168#4 : vector<16xf32>
      %max3A_178 = arith.maximumf %max3A_139, %scan3A_168#5 : vector<16xf32>
      %max3A_179 = arith.maximumf %max3A_140, %scan3A_168#6 : vector<16xf32>
      scf.yield %max3A_173, %max3A_174, %max3A_175, %max3A_176, %max3A_177, %max3A_178, %max3A_179 : vector<16xf32>, vector<16xf32>, vector<16xf32>, vector<16xf32>, vector<16xf32>, vector<16xf32>, vector<16xf32>
    }
    %scan3A_61 = arith.constant 64 : i32
    %broadcast_in_dim3A_62 = arith.constant 0.000000e+00 : f32
    %broadcast_in_dim3A_63 = vector.broadcast %broadcast_in_dim3A_62 : f32 to vector<16xf32>
    %swap3A = arith.constant 112 : index
    %swap3A_64 = tpu.vector_load %arg10[%swap3A] {strides = array<i32>} : memref<128xf32, #tpu.memory_space<vmem>>, vector<16xf32>,
    %swap3A_65 = vector.shape_cast %swap3A_64 : vector<16xf32> to vector<16xf32>
    %swap3A_66 = vector.shape_cast %broadcast_in_dim3A_63 : vector<16xf32> to vector<16xf32>
    tpu.vector_store %arg10[%swap3A], %swap3A_66 {strides = array<i32>} : memref<128xf32, #tpu.memory_space<vmem>>, vector<16xf32>,
    %swap3A_67 = arith.constant 0 : index
    %swap3A_68 = tpu.vector_load %arg10[%swap3A_67] {strides = array<i32>} : memref<128xf32, #tpu.memory_space<vmem>>, vector<16xf32>,
    %swap3A_69 = vector.shape_cast %swap3A_68 : vector<16xf32> to vector<16xf32>
    %swap3A_70 = vector.shape_cast %scan3A_60#0 : vector<16xf32> to vector<16xf32>
    tpu.vector_store %arg10[%swap3A_67], %swap3A_70 {strides = array<i32>} : memref<128xf32, #tpu.memory_space<vmem>>, vector<16xf32>,
    %swap3A_71 = arith.constant 16 : index
    %swap3A_72 = tpu.vector_load %arg10[%swap3A_71] {strides = array<i32>} : memref<128xf32, #tpu.memory_space<vmem>>, vector<16xf32>,
    %swap3A_73 = vector.shape_cast %swap3A_72 : vector<16xf32> to vector<16xf32>
    %swap3A_74 = vector.shape_cast %scan3A_60#1 : vector<16xf32> to vector<16xf32>
    tpu.vector_store %arg10[%swap3A_71], %swap3A_74 {strides = array<i32>} : memref<128xf32, #tpu.memory_space<vmem>>, vector<16xf32>,
    %swap3A_75 = arith.constant 32 : index
    %swap3A_76 = tpu.vector_load %arg10[%swap3A_75] {strides = array<i32>} : memref<128xf32, #tpu.memory_space<vmem>>, vector<16xf32>,
    %swap3A_77 = vector.shape_cast %swap3A_76 : vector<16xf32> to vector<16xf32>
    %swap3A_78 = vector.shape_cast %scan3A_60#2 : vector<16xf32> to vector<16xf32>
    tpu.vector_store %arg10[%swap3A_75], %swap3A_78 {strides = array<i32>} : memref<128xf32, #tpu.memory_space<vmem>>, vector<16xf32>,
    %swap3A_79 = arith.constant 48 : index
    %swap3A_80 = tpu.vector_load %arg10[%swap3A_79] {strides = array<i32>} : memref<128xf32, #tpu.memory_space<vmem>>, vector<16xf32>,
    %swap3A_81 = vector.shape_cast %swap3A_80 : vector<16xf32> to vector<16xf32>
    %swap3A_82 = vector.shape_cast %scan3A_60#3 : vector<16xf32> to vector<16xf32>
    tpu.vector_store %arg10[%swap3A_79], %swap3A_82 {strides = array<i32>} : memref<128xf32, #tpu.memory_space<vmem>>, vector<16xf32>,
    %swap3A_83 = arith.constant 64 : index
    %swap3A_84 = tpu.vector_load %arg10[%swap3A_83] {strides = array<i32>} : memref<128xf32, #tpu.memory_space<vmem>>, vector<16xf32>,
    %swap3A_85 = vector.shape_cast %swap3A_84 : vector<16xf32> to vector<16xf32>
    %swap3A_86 = vector.shape_cast %scan3A_60#4 : vector<16xf32> to vector<16xf32>
    tpu.vector_store %arg10[%swap3A_83], %swap3A_86 {strides = array<i32>} : memref<128xf32, #tpu.memory_space<vmem>>, vector<16xf32>,
    %swap3A_87 = arith.constant 80 : index
    %swap3A_88 = tpu.vector_load %arg10[%swap3A_87] {strides = array<i32>} : memref<128xf32, #tpu.memory_space<vmem>>, vector<16xf32>,
    %swap3A_89 = vector.shape_cast %swap3A_88 : vector<16xf32> to vector<16xf32>
    %swap3A_90 = vector.shape_cast %scan3A_60#5 : vector<16xf32> to vector<16xf32>
    tpu.vector_store %arg10[%swap3A_87], %swap3A_90 {strides = array<i32>} : memref<128xf32, #tpu.memory_space<vmem>>, vector<16xf32>,
    %swap3A_91 = arith.constant 96 : index
    %swap3A_92 = tpu.vector_load %arg10[%swap3A_91] {strides = array<i32>} : memref<128xf32, #tpu.memory_space<vmem>>, vector<16xf32>,
    %swap3A_93 = vector.shape_cast %swap3A_92 : vector<16xf32> to vector<16xf32>
    %swap3A_94 = vector.shape_cast %scan3A_60#6 : vector<16xf32> to vector<16xf32>
    tpu.vector_store %arg10[%swap3A_91], %swap3A_94 {strides = array<i32>} : memref<128xf32, #tpu.memory_space<vmem>>, vector<16xf32>,
    "tpu.region"() ({
      %run_scoped3A = tpu.sem_alloc : memref<!tpu.dma_semaphore, #tpu.memory_space<semaphore_mem>>
      %dma_start3A_95 = arith.constant 0 : i32
      %dma_start3A_96 = tpu.memref_slice %arg4[%add3A, %dma_start3A_95] : memref<32x128xf32, #tpu.memory_space<hbm>> -> memref<1x128xf32, #tpu.memory_space<hbm>>
      %dma_start3A_97 = tpu.memref_squeeze %dma_start3A_96 : memref<1x128xf32, #tpu.memory_space<hbm>> -> memref<128xf32, #tpu.memory_space<hbm>>
      %dma_start3A_98 = arith.constant 0 : i32
      %dma_start3A_99 = tpu.memref_slice %arg4[%add3A, %dma_start3A_98] : memref<32x128xf32, #tpu.memory_space<hbm>> -> memref<1x128xf32, #tpu.memory_space<hbm>>
      %dma_start3A_100 = tpu.memref_squeeze %dma_start3A_99 : memref<1x128xf32, #tpu.memory_space<hbm>> -> memref<128xf32, #tpu.memory_space<hbm>>
      tpu.enqueue_dma source(%arg10 : memref<128xf32, #tpu.memory_space<vmem>>) target(%dma_start3A_100 : memref<128xf32, #tpu.memory_space<hbm>>) target_semaphore(%run_scoped3A : memref<!tpu.dma_semaphore, #tpu.memory_space<semaphore_mem>>)
      %dma_wait3A = arith.constant 0 : i32
      %dma_wait3A_101 = tpu.memref_slice %arg4[%add3A, %dma_wait3A] : memref<32x128xf32, #tpu.memory_space<hbm>> -> memref<1x128xf32, #tpu.memory_space<hbm>>
      %dma_wait3A_102 = tpu.memref_squeeze %dma_wait3A_101 : memref<1x128xf32, #tpu.memory_space<hbm>> -> memref<128xf32, #tpu.memory_space<hbm>>
      %dma_wait3A_103 = arith.constant 0 : i32
      %dma_wait3A_104 = tpu.memref_slice %arg4[%add3A, %dma_wait3A_103] : memref<32x128xf32, #tpu.memory_space<hbm>> -> memref<1x128xf32, #tpu.memory_space<hbm>>
      %dma_wait3A_105 = tpu.memref_squeeze %dma_wait3A_104 : memref<1x128xf32, #tpu.memory_space<hbm>> -> memref<128xf32, #tpu.memory_space<hbm>>
      tpu.wait_dma2 semaphore(%run_scoped3A : memref<!tpu.dma_semaphore, #tpu.memory_space<semaphore_mem>>) src(%arg10 : memref<128xf32, #tpu.memory_space<vmem>>) dst(%dma_wait3A_105 : memref<128xf32, #tpu.memory_space<hbm>>)
      tpu.yield
    }) : () -> ()
    return
  }
}

module attributes {stable_mosaic.version = 14 : i64} {
  func.func @body(%arg0: i32, %arg1: memref<24576x100xf32, #tpu.memory_space<vmem>>, %arg2: memref<24576x128xf32, #tpu.memory_space<vmem>>) attributes {dimension_semantics = [#tpu.dimension_semantics<arbitrary>], iteration_bounds = array<i64: 41>, scalar_prefetch = 0 : i64, scratch_operands = 0 : i64, tpu.core_type = #tpu.core_type<tc>, window_params = [{transform_indices = @transform_0, window_bounds = array<i64: 24576, 100>}, {transform_indices = @transform_1, window_bounds = array<i64: 24576, 128>}]} {
    %get3A = arith.constant 0 : index
    %get3A_0 = arith.constant 0 : index
    %get3A_1 = vector.load %arg1[%get3A, %get3A_0] : memref<24576x100xf32, #tpu.memory_space<vmem>>, vector<24576x100xf32>
    %jit3A = arith.constant 0 : i32
    %convert_element_type3A = arith.sitofp %jit3A : i32 to f32
    %pad3A = vector.broadcast %convert_element_type3A : f32 to vector<24576x28xf32>
    %pad3A_2 = tpu.concatenate %get3A_1, %pad3A in 1 : vector<24576x100xf32>, vector<24576x28xf32> -> vector<24576x128xf32>
    %swap3A = arith.constant 0 : index
    %swap3A_3 = arith.constant 0 : index
    %swap3A_4 = vector.load %arg2[%swap3A, %swap3A_3] : memref<24576x128xf32, #tpu.memory_space<vmem>>, vector<24576x128xf32>
    tpu.vector_store %arg2[%swap3A, %swap3A_3], %pad3A_2 {strides = array<i32>} : memref<24576x128xf32, #tpu.memory_space<vmem>>, vector<24576x128xf32>,
    return
  }
  func.func @transform_0(%arg0: i32) -> (i32, i32) {
    %c0_i32 = arith.constant 0 : i32
    %c0_i32_0 = arith.constant 0 : i32
    return %arg0, %c0_i32 : i32, i32
  }
  func.func @transform_1(%arg0: i32) -> (i32, i32) {
    %c0_i32 = arith.constant 0 : i32
    %c0_i32_0 = arith.constant 0 : i32
    return %arg0, %c0_i32 : i32, i32
  }
}

module attributes {stable_mosaic.version = 14 : i64} {
  func.func @body(%arg0: memref<32x128xf32, #tpu.memory_space<vmem>>, %arg1: memref<128x4xf32, #tpu.memory_space<vmem>>, %arg2: memref<1x4xf32, #tpu.memory_space<vmem>>, %arg3: memref<1x4xf32, #tpu.memory_space<vmem>>, %arg4: memref<1x4xf32, #tpu.memory_space<vmem>>, %arg5: memref<1x1xf32, #tpu.memory_space<vmem>>) attributes {dimension_semantics = [], scalar_prefetch = 0 : i64, scratch_operands = 0 : i64, tpu.core_type = #tpu.core_type<tc>} {
    %get3A = arith.constant 0 : index
    %get3A_0 = arith.constant 0 : index
    %get3A_1 = vector.load %arg0[%get3A, %get3A_0] : memref<32x128xf32, #tpu.memory_space<vmem>>, vector<32x128xf32>
    %reduce_max3A = arith.constant dense<0xFF800000> : vector<128xf32>
    %reduce_max3A_2 = vector.multi_reduction <maximumf>, %get3A_1, %reduce_max3A [0] : vector<32x128xf32> to vector<128xf32>
    %broadcast_in_dim3A = vector.shape_cast %reduce_max3A_2 : vector<128xf32> to vector<1x128xf32>
    %iota3A = tpu.iota {dimensions = array<i32: 1>} : vector<1x128xi32>
    %lt3A = arith.constant 100 : i32
    %lt3A_3 = vector.broadcast %lt3A : i32 to vector<1x128xi32>
    %lt3A_4 = arith.cmpi slt, %iota3A, %lt3A_3 : vector<1x128xi32>
    %jit3A = arith.constant 0.000000e+00 : f32
    %broadcast_in_dim3A_5 = vector.broadcast %jit3A : f32 to vector<1x128xf32>
    %select_n3A = arith.select %lt3A_4, %broadcast_in_dim3A, %broadcast_in_dim3A_5 : vector<1x128xi1>, vector<1x128xf32>
    %gt3A = arith.constant 0.000000e+00 : f32
    %gt3A_6 = vector.broadcast %gt3A : f32 to vector<1x128xf32>
    %gt3A_7 = arith.cmpf ogt, %select_n3A, %gt3A_6 : vector<1x128xf32>
    %mul3A = arith.constant 0.00999999977 : f32
    %mul3A_8 = vector.broadcast %mul3A : f32 to vector<1x128xf32>
    %mul3A_9 = arith.mulf %mul3A_8, %select_n3A : vector<1x128xf32>
    %select_n3A_10 = arith.select %gt3A_7, %select_n3A, %mul3A_9 : vector<1x128xi1>, vector<1x128xf32>
    %get3A_11 = arith.constant 0 : index
    %get3A_12 = arith.constant 0 : index
    %get3A_13 = vector.load %arg1[%get3A_11, %get3A_12] : memref<128x4xf32, #tpu.memory_space<vmem>>, vector<128x4xf32>
    %dot_general3A = arith.constant dense<0.000000e+00> : vector<1x4xf32>
    %dot_general3A_14 = tpu.matmul %select_n3A_10, %get3A_13, %dot_general3A {dimension_numbers = #tpu.dot_dimension_numbers<[1], [0], [0], [1], [0, 0, 1, 1], [], []>, transpose_lhs_hint = false} : vector<1x128xf32>, vector<128x4xf32>, vector<1x4xf32> -> vector<1x4xf32>
    %get3A_15 = arith.constant 0 : index
    %get3A_16 = arith.constant 0 : index
    %get3A_17 = vector.load %arg2[%get3A_15, %get3A_16] : memref<1x4xf32, #tpu.memory_space<vmem>>, vector<1x4xf32>
    %add3A = arith.addf %dot_general3A_14, %get3A_17 : vector<1x4xf32>
    %reduce_max3A_18 = arith.constant dense<0xFF800000> : vector<1xf32>
    %reduce_max3A_19 = vector.multi_reduction <maximumf>, %add3A, %reduce_max3A_18 [1] : vector<1x4xf32> to vector<1xf32>
    %broadcast_in_dim3A_20 = vector.shape_cast %reduce_max3A_19 : vector<1xf32> to vector<1x1xf32>
    %sub3A = vector.broadcast %broadcast_in_dim3A_20 : vector<1x1xf32> to vector<1x4xf32>
    %sub3A_21 = arith.subf %add3A, %sub3A : vector<1x4xf32>
    %exp3A = math.exp %sub3A_21 : vector<1x4xf32>
    %reduce_sum3A = arith.constant dense<0.000000e+00> : vector<1xf32>
    %reduce_sum3A_22 = vector.multi_reduction <add>, %exp3A, %reduce_sum3A [1] : vector<1x4xf32> to vector<1xf32>
    %broadcast_in_dim3A_23 = vector.shape_cast %reduce_sum3A_22 : vector<1xf32> to vector<1x1xf32>
    %div3A = vector.broadcast %broadcast_in_dim3A_23 : vector<1x1xf32> to vector<1x4xf32>
    %div3A_24 = arith.divf %exp3A, %div3A : vector<1x4xf32>
    %swap3A = arith.constant 0 : index
    %swap3A_25 = arith.constant 0 : index
    %swap3A_26 = vector.load %arg4[%swap3A, %swap3A_25] : memref<1x4xf32, #tpu.memory_space<vmem>>, vector<1x4xf32>
    tpu.vector_store %arg4[%swap3A, %swap3A_25], %div3A_24 {strides = array<i32>} : memref<1x4xf32, #tpu.memory_space<vmem>>, vector<1x4xf32>,
    %reduce_max3A_27 = arith.constant dense<0xFF800000> : vector<1xf32>
    %reduce_max3A_28 = vector.multi_reduction <maximumf>, %div3A_24, %reduce_max3A_27 [1] : vector<1x4xf32> to vector<1xf32>
    %broadcast_in_dim3A_29 = vector.shape_cast %reduce_max3A_28 : vector<1xf32> to vector<1x1xf32>
    %sub3A_30 = vector.broadcast %broadcast_in_dim3A_29 : vector<1x1xf32> to vector<1x4xf32>
    %sub3A_31 = arith.subf %div3A_24, %sub3A_30 : vector<1x4xf32>
    %exp3A_32 = math.exp %sub3A_31 : vector<1x4xf32>
    %reduce_sum3A_33 = arith.constant dense<0.000000e+00> : vector<1xf32>
    %reduce_sum3A_34 = vector.multi_reduction <add>, %exp3A_32, %reduce_sum3A_33 [1] : vector<1x4xf32> to vector<1xf32>
    %broadcast_in_dim3A_35 = vector.shape_cast %reduce_sum3A_34 : vector<1xf32> to vector<1x1xf32>
    %log3A = math.log %broadcast_in_dim3A_35 : vector<1x1xf32>
    %reduce_max3A_36 = arith.constant dense<0xFF800000> : vector<1xf32>
    %reduce_max3A_37 = vector.multi_reduction <maximumf>, %div3A_24, %reduce_max3A_36 [1] : vector<1x4xf32> to vector<1xf32>
    %broadcast_in_dim3A_38 = vector.shape_cast %reduce_max3A_37 : vector<1xf32> to vector<1x1xf32>
    %add3A_39 = arith.addf %log3A, %broadcast_in_dim3A_38 : vector<1x1xf32>
    %get3A_40 = arith.constant 0 : index
    %get3A_41 = arith.constant 0 : index
    %get3A_42 = vector.load %arg3[%get3A_40, %get3A_41] : memref<1x4xf32, #tpu.memory_space<vmem>>, vector<1x4xf32>
    %mul3A_43 = arith.mulf %div3A_24, %get3A_42 : vector<1x4xf32>
    %reduce_sum3A_44 = arith.constant dense<0.000000e+00> : vector<1xf32>
    %reduce_sum3A_45 = vector.multi_reduction <add>, %mul3A_43, %reduce_sum3A_44 [1] : vector<1x4xf32> to vector<1xf32>
    %broadcast_in_dim3A_46 = vector.shape_cast %reduce_sum3A_45 : vector<1xf32> to vector<1x1xf32>
    %sub3A_47 = arith.subf %add3A_39, %broadcast_in_dim3A_46 : vector<1x1xf32>
    %swap3A_48 = arith.constant 0 : index
    %swap3A_49 = arith.constant 0 : index
    %swap3A_50 = vector.load %arg5[%swap3A_48, %swap3A_49] : memref<1x1xf32, #tpu.memory_space<vmem>>, vector<1x1xf32>
    tpu.vector_store %arg5[%swap3A_48, %swap3A_49], %sub3A_47 {strides = array<i32>} : memref<1x1xf32, #tpu.memory_space<vmem>>, vector<1x1xf32>,
    return
  }
}

</mosaic_0001>

<sc_bundles>
// kernel: kernel.5.cloned.1.call-start
scs
__scs_entry_jumppad:
0x0: {  	(pc) =	sbr.rel $0x88, $3  }
0x1: {  	(tag) =	ssettag $0x0;
	lr =	simm.s32 $0x1  }
0x2: {  	[smem:$0x3F9C] =	sst lr;
	_ =	strace $0xD0000000  }
0x3: {  	_ = 	snop  }
0x4: {  	_ = 	snop  }
0x5: {  	_ = 	snop  }
0x6: {  	_ = 	snop  }
0x7: {  	_ = 	snop  }
__scs_overlays_trampoline_lowered:
0x8: {  	[smem:$0x3FAB] =	sst s0  }
0x9: {  	[smem:$0x3FAC] =	sst s1  }
0xa: {  	[smem:$0x3FAD] =	sst s2  }
0xb: {  	[smem:$0x3FAE] =	sst s3  }
0xc: {  	[smem:$0x3FAF] =	sst s4  }
0xd: {  	[smem:$0x3FB0] =	sst s5  }
0xe: {  	[smem:$0x3FB1] =	sst s6  }
0xf: {  	[smem:$0x3FB2] =	sst s7  }
0x10: {  	[smem:$0x3FB3] =	sst s8  }
0x11: {  	[smem:$0x3FB4] =	sst s9;
	s0 =	simm.s32 @!p0 $0x0  }
0x12: {  	s1 =	sld [smem:$0x3F9A];
	s0 =	simm.s32 @p0 $0x1  }
0x13: {  	[smem:$0x3FB5] =	sst s0;
	s0 =	simm.s32 @!p1 $0x0  }
0x14: {  	s2 =	sld [smem:$0x3F99];
	s0 =	simm.s32 @p1 $0x1  }
0x15: {  	[smem:$0x3FB6] =	sst s0;
	s0 =	simm.s32 @!p2 $0x0  }
0x16: {  	s3 =	sld [smem:$0x3FDB];
	s0 =	simm.s32 @p2 $0x1  }
0x17: {  	s4 =	simm.s32 $0x1BF5;
	[smem:$0x3FB8] =	sst s0  }
0x18: {  	s0 =	sld [smem:$0x3F9B];
	_ =	swait.ge [sflag:s4], $0x0  }
0x19: {  	s7 =	sld [smem:$0x3F9C]  }
0x1a: {  	s8 =	sadd.s32 $0xFFFFE003, lr  }
0x1b: {  	s9 =	sadd.s32 $0xFFFFFEF7, lr;
	s5 =	simm.s32 $0xFFFFFFFF;
	p2 =	slt.u32 s8, $0xFFFFF086  }
0x1c: {  	p1 =	slt.u32 s9, $0xF7A;
	s5 =	simm.s32 @!p2 $0x0  }
0x1d: {  	s5 =	simm.s32 @p1 $0x1;
	p0 =	seq.s32 s7, s2  }
0x1e: {  	s7 =	smul.u32 @!p0 $0xF7A, s2;
	p2 =	seq.s32 @!p0 s5, $0x0  }
0x1f: {  	s9 =	smul.u32 $0xF7A, s1;
	s8 =	simm.s32 @!p0 $0x1BF5;
	p2 =	por !p2, p0  }
0x20: {  	[sflag:s8] =	ssyncset.s32 @!p0 $0xFFFFF086;
	s6 =	sadd.s32 @!p0 s3, s7;
	s7 =	simm.s32 @!p0 $0x108  }
0x21: {  	s3 =	sadd.s32 s3, s9;
	s6 =	sadd.s32 @!p0 $0x88, s6;
	s7 =	simm.s32 @p2 $0x1082  }
0x22: {  	[simem:s7], [sflag:s8] =	dma.local @!p0 [hbm:s6], $0xF7A  }
0x23: {  	s9 =	sor.u32 $0xD0000000, s2;
	s6 =	simm.s32 $0x108;
	_ =	swait.ge @!p0 [sflag:s8], $0x0  }
0x24: {  	s3 =	sadd.s32 $0x88, s3;
	s6 =	simm.s32 @!p1 $0x1082;
	[sflag:s4] =	ssyncset.s32 $0xFFFFF086  }
0x25: {  	[simem:s6], [sflag:s4] =	dma.local [hbm:s3], $0xF7A  }
0x26: {  	[smem:$0x3F9C] =	sst s1;
	(tag) =	ssettag s2;
	_ =	strace s9  }
0x27: {  	s1 =	sld [smem:$0x3FAC]  }
0x28: {  	s2 =	sld [smem:$0x3FAD]  }
0x29: {  	s4 =	sld [smem:$0x3FAF]  }
0x2a: {  	p0 =	seq.s32 s5, $0x0;
	s5 =	sld [smem:$0x3FB0]  }
0x2b: {  	s6 =	sld [smem:$0x3FB1]  }
0x2c: {  	s7 =	sld [smem:$0x3FB2]  }
0x2d: {  	s3 =	simm.s32 $0x108;
	s8 =	sld [smem:$0x3FB3]  }
0x2e: {  	s3 =	simm.s32 @!p0 $0x1082;
	s9 =	sld [smem:$0x3FB4]  }
0x2f: {  	lr =	sadd.s32 s0, s3;
	s0 =	sld [smem:$0x3FAB]  }
0x30: {  	s3 =	sld [smem:$0x3FAE]  }
0x31: {  	[smem:$0x3FB7] =	sst s10  }
0x32: {  	s10 =	sld [smem:$0x3FB5];
	_ =	sdelay $0x3  }
0x33: {  	p0 =	seq.s32 s10, $0x1;
	s10 =	sld [smem:$0x3FB7];
	_ =	sdelay $0x3  }
0x34: {  	[smem:$0x3FB7] =	sst s10  }
0x35: {  	s10 =	sld [smem:$0x3FB6];
	_ =	sdelay $0x3  }
0x36: {  	p1 =	seq.s32 s10, $0x1;
	s10 =	sld [smem:$0x3FB7];
	_ =	sdelay $0x3  }
0x37: {  	[smem:$0x3FB7] =	sst s10  }
0x38: {  	s10 =	sld [smem:$0x3FB8]  }
0x39: {  	_ = 	snop;
	(pc) =	sbr.ind lr, $3  }
0x3a: {  	_ = 	snop  }
0x3b: {  	_ = 	snop  }
0x3c: {  	p2 =	seq.s32 s10, $0x1;
	s10 =	sld [smem:$0x3FB7]  }
0x3d: {  	_ =	shalt  }
0x3e: {  	_ =	shalt  }
0x3f: {  	_ =	shalt  }
0x40: {  	_ =	shalt  }
0x41: {  	_ =	shalt  }
0x42: {  	_ =	shalt  }
0x43: {  	_ =	shalt  }
0x44: {  	_ =	shalt  }
0x45: {  	_ =	shalt  }
0x46: {  	_ =	shalt  }
0x47: {  	_ =	shalt  }
0x48: {  	_ =	shalt  }
0x49: {  	_ =	shalt  }
0x4a: {  	_ =	shalt  }
0x4b: {  	_ =	shalt  }
0x4c: {  	_ =	shalt  }
0x4d: {  	_ =	shalt  }
0x4e: {  	_ =	shalt  }
0x4f: {  	_ =	shalt  }
0x50: {  	_ =	shalt  }
0x51: {  	_ =	shalt  }
0x52: {  	_ =	shalt  }
0x53: {  	_ =	shalt  }
0x54: {  	_ =	shalt  }
0x55: {  	_ =	shalt  }
0x56: {  	_ =	shalt  }
0x57: {  	_ =	shalt  }
0x58: {  	_ =	shalt  }
0x59: {  	_ =	shalt  }
0x5a: {  	_ =	shalt  }
0x5b: {  	_ =	shalt  }
0x5c: {  	_ =	shalt  }
0x5d: {  	_ =	shalt  }
0x5e: {  	_ =	shalt  }
0x5f: {  	_ =	shalt  }
0x60: {  	_ =	shalt  }
0x61: {  	_ =	shalt  }
0x62: {  	_ =	shalt  }
0x63: {  	_ =	shalt  }
0x64: {  	_ =	shalt  }
0x65: {  	_ =	shalt  }
0x66: {  	_ =	shalt  }
0x67: {  	_ =	shalt  }
0x68: {  	_ =	shalt  }
0x69: {  	_ =	shalt  }
0x6a: {  	_ =	shalt  }
0x6b: {  	_ =	shalt  }
0x6c: {  	_ =	shalt  }
0x6d: {  	_ =	shalt  }
0x6e: {  	_ =	shalt  }
0x6f: {  	_ =	shalt  }
0x70: {  	_ =	shalt  }
0x71: {  	_ =	shalt  }
0x72: {  	_ =	shalt  }
0x73: {  	_ =	shalt  }
0x74: {  	_ =	shalt  }
0x75: {  	_ =	shalt  }
0x76: {  	_ =	shalt  }
0x77: {  	_ =	shalt  }
0x78: {  	_ =	shalt  }
0x79: {  	_ =	shalt  }
0x7a: {  	_ =	shalt  }
0x7b: {  	_ =	shalt  }
0x7c: {  	_ =	shalt  }
0x7d: {  	_ =	shalt  }
0x7e: {  	_ =	shalt  }
0x7f: {  	_ =	shalt  }
0x80: {  	_ =	shalt  }
0x81: {  	_ =	shalt  }
0x82: {  	_ =	shalt  }
0x83: {  	_ =	shalt  }
0x84: {  	_ =	shalt  }
0x85: {  	_ =	shalt  }
0x86: {  	_ =	shalt  }
0x87: {  	_ =	shalt  }
.Lfunc_end0:
.L_simem_size_0:
called_computation_lowered:
.L_overlay_start_0:
0x88: {  	s2 =	sld [smem:$0x3FD9]  }
0x89: {  	s3 =	sld [smem:$0x3FFE];
	_ =	sdelay $0x1  }
0x8a: {  	s1 =	srdreg.scid  }
0x8b: {  	s0 =	sand.u32 $0x1, s1  }
0x8c: {  	s16 =	sshll.u32 s0, $0xA;
	s2 =	sadd.s32 s3, s2  }
0x8d: {  	s2 =	sadd.s32 s2, s16  }
0x8e: {  	[smem:$0x3FC3] =	sst s2  }
0x8f: {  	_ = 	snop  }
0x90: {  	(tm) =	ssettm $0x1  }
0x91: {  	s17 =	sld [smem:$0x3FFB];
	_ =	sdelay $0x3  }
0x92: {  	_ =	strace s17  }
0x93: {  	s2 =	sld [smem:$0x3FFC];
	_ =	sdelay $0x3  }
0x94: {  	_ =	strace s2  }
0x95: {  	s2 =	sld [smem:$0x3FFD];
	_ =	sdelay $0x3  }
0x96: {  	_ =	strace s2  }
0x97: {  	_ =	strace $0x8FFFFFFF  }
0x98: {  	s18 =	sld [smem:$0x3FDB];
	_ =	sdelay $0x1  }
0x99: {  	s19 =	simm.s32 $_scs_section_size  }
0x9a: {  	s4 =	simm.s32 $_size__tile_overlayer_lowered;
	s5 =	simm.s32 $_tile_overlayer_lowered  }
0x9b: {  	s22 =	simm.s32 $0x1BFF;
	s21 =	sshll.u32 s5, $0x1;
	s2 =	sadd.s32 s19, s18  }
0x9c: {  	s6 =	simm.s32 $0x0;
	s20 =	sshll.u32 s4, $0x1;
	s4 =	sadd.s32 s21, s2  }
0x9d: {  	[timem:s6], [sflag:s22] =	dma.local [hbm:s4], s20  }
0x9e: {  	_ =	swait.ge [sflag:s22], s20  }
0x9f: {  	s3 =	ssub.s32 $0x0, s20;
	[sflag:s22] =	ssyncset.done $0x0  }
0xa0: {  	[sflag:s22] =	ssyncadd.s32 s3;
	_ =	sdelay $0x1  }
0xa1: {  	s23 =	simm.s32 $0x1B8B  }
0xa2: {  	_ =	swait.ge [sflag:s23], $0x1  }
0xa3: {  	[sflag:s23] =	ssyncset.done $0x0  }
0xa4: {  	s25 =	simm.s32 $0x1B8E;
	s24 =	sld [smem:$0x3FFE];
	[sflag:s23] =	ssyncadd.s32 $0xFFFFFFFF  }
0xa5: {  	s26 =	simm.s32 $execute0_lowered;
	[smem:$0x3FD2] =	sst s25  }
0xa6: {  	s4 =	sshll.u32 s26, $0x1;
	_ =	strace $0x80000046;
	[dreg:$0x1] =	wrdreg $0xFFFFFFFF  }
0xa7: {  	s28 =	simm.s32 $_size_execute0_lowered;
	s2 =	sadd.s32 s2, s4;
	[dreg:$0x0] =	wrdreg $0x0  }
0xa8: {  	s4 =	sshll.u32 s28, $0x1;
	[dreg:$0x2] =	wrdreg s2  }
0xa9: {  	[dreg:$0x3] =	wrdreg s4  }
0xaa: {  	[dreg:$0x4] =	wrdreg $0xC0  }
0xab: {  	_ =	task [dreg:s6], $0x5FFFF  }
0xac: {  	[dreg:$0x1] =	wrdreg $0xFFFFFFFF  }
0xad: {  	[dreg:$0x0] =	wrdreg $0x60  }
0xae: {  	[dreg:$0x2] =	wrdreg s24  }
0xaf: {  	[dreg:$0x3] =	wrdreg $0x9  }
0xb0: {  	_ =	task.clear_ibuf [dreg:s6], $0x4FFFF;
	_ =	strace $0x90000046  }
0xb1: {  	s29 =	simm.s32 $0x9;
	_ =	strace $0x80000048  }
0xb2: {  	_ =	swait.ge [sflag:s29], $0x1  }
0xb3: {  	[sflag:s29] =	ssyncadd.s32 $0xFFFFFFFF  }
0xb4: {  	_ =	strace $0x90000048  }
0xb5: {  	_ =	sfence  }
0xb6: {  	s30 =	sld [smem:$0x0];
	_ =	sdelay $0x2  }
0xb7: {  	s31 =	sshll.u32 s1, $0xD;
	s1 =	sshrl.u32 s1, $0x2  }
0xb8: {  	s3 =	sand.u32 $0x4000, s31;
	s1 =	sadd.s32 s1, s30  }
0xb9: {  	s0 =	sor.u32 s3, s0;
	s1 =	sshll.u32 s1, $0x11  }
0xba: {  	s0 =	sor.u32 s1, s0  }
0xbb: {  	s0 =	sadd.s32 $0x8F2B, s0  }
0xbc: {  	[sflag:s0] =	ssyncadd.remote.s32 $0x1  }
0xbd: {  	_ =	sfence.sel $0xFFFF  }
0xbe: {  	[dreg:$0x0] =	wrdreg $0xFFFFFFFF;
	(pc) =	sbr.abs _section_cstart, $3  }
0xbf: {  	[dreg:$0x1] =	wrdreg $0xFFFFFFFF  }
0xc0: {  	_ =	task.clear_ibuf [dreg:s6], $0x2FFFF;
	_ =	strace $0x9FFFFFFF  }
0xc1: {  	(tm) =	ssettm $0x7FFFFFFF  }
tec
execute0_lowered:
.L_overlay_start_1:
0x0: {  	(tag) =	ssettag $0x1  }
0x1: {  	s1 =	srdreg.scid  }
0x2: {  	s0 =	stileid.u32;
	s4 =	rddreg [dreg:$0x0]  }
0x3: {  	s2 =	simm.s32 $0x0;
	s9 =	simm.s32 $0x6800;
	s10 =	simm.s32 $0x68  }
0x4: {  	s11 =	simm.s32 $0x9A00;
	s12 =	simm.s32 $0xD0;
	s13 =	simm.s32 $0xCC00  }
0x5: {  	s14 =	simm.s32 $0x138;
	s15 =	simm.s32 $0xFE00;
	s16 =	simm.s32 $0x1  }
0x6: {  	s17 =	simm.s32 $0x2;
	s18 =	simm.s32 $0x3;
	s19 =	simm.s32 $0x4  }
0x7: {  	s20 =	simm.s32 $0x13000;
	s3 =	sand.u32 $0x1, s1;
	s1 =	rddreg [dreg:$0x1]  }
0x8: {  	s21 =	simm.s32 $0x0;
	s5 =	sshll.u32 s0, $0x1;
	[smem:$0x7FF] =	sst s2  }
0x9: {  	s5 =	sor.u32 s3, s5;
	_ =	strace $0x80000047;
	s7 =	ssub.s32 $0x2, s3  }
0xa: {  	s6 =	smul.u32 $0xD00, s5;
	s5 =	sshll.u32 s5, $0x4;
	s8 =	sshrl.u32 s7, $0x1  }
0xb: {  	s3 =	sadd.s32 $0xF43400, s4;
	s5 =	sadd.s32 s5, s4;
	s7 =	ssub.s32 s7, s8  }
0xc: {  	s8 =	simm.s32 $0x64;
	s6 =	sadd.s32 s6, s4;
	s5 =	sadd.s32 $0x1B000, s5  }
0xd: {  	v0 =	vimm.f32 $0.0e+00;
	s4 =	sadd.s32 $0x1000, s6;
	s6 =	smax.u32 s7, $0x1;
	s7 =	simm.s32 $0x5  }
.LBB2_1:
0xe: {  	[tilespmem:s2], [sflag:$0x5] =	stream.linear.gather [hbm4b:s4+s2], $0x6800, $0x38;
	[tilespmem:$0x13080] =	vst v63  }
0xf: {  	_ =	swait.ge [sflag:s7], $0x6800  }
0x10: {  	[sflag:s7] =	ssyncset.done $0x0  }
0x11: {  	[sflag:s7] =	ssyncadd.s32 $0xFFFF9800  }
0x12: {  	[tilespmem:s9], [sflag:$0x1] =	stream.indirect.gather [hbm4b:s3+s8], $0x80, s2, s8, $0xb8;
	[tilespmem:$0x13080] =	vst v63  }
0x13: {  	_ = 	snop  }
0x14: {  	[tilespmem:s11], [sflag:$0x2] =	stream.indirect.gather [hbm4b:s3+s8], $0x80, s10, s8, $0xb8;
	[tilespmem:$0x13080] =	vst v63  }
0x15: {  	_ = 	snop  }
0x16: {  	v1 =	vimm.f32 $-Inf;
	[tilespmem:s13], [sflag:$0x3] =	stream.indirect.gather [hbm4b:s3+s8], $0x80, s12, s8, $0xb8;
	[tilespmem:$0x13080] =	vst v63  }
0x17: {  	v2 =	vimm.f32 $-Inf;
	v3 =	vimm.f32 $-Inf;
	v4 =	vimm.f32 $-Inf;
	s23 =	simm.s32 $0x0  }
0x18: {  	v5 =	vimm.f32 $-Inf;
	v6 =	vimm.f32 $-Inf;
	v7 =	vimm.f32 $-Inf;
	[tilespmem:s15], [sflag:$0x4] =	stream.indirect.gather [hbm4b:s3+s8], $0x80, s14, s8, $0xb8;
	[tilespmem:$0x13080] =	vst v63  }
.LBB2_2:
0x19: {  	_ =	swait.ge [sflag:s16], $0x3200  }
0x1a: {  	[sflag:s16] =	ssyncset.done $0x0  }
0x1b: {  	s24 =	simm.s32 $0x6900;
	[sflag:s16] =	ssyncadd.s32 $0xFFFFCE00  }
0x1c: {  	v11 =	vld [tilespmem:s24+$0x80]  }
0x1d: {  	v12 =	vld [tilespmem:s24+$0x90]  }
0x1e: {  	v13 =	vld [tilespmem:s24+$0xA0]  }
0x1f: {  	v9 =	vld [tilespmem:s24+$0xB0]  }
0x20: {  	v8 =	vld [tilespmem:s24+$0xC0]  }
0x21: {  	v15 =	vld [tilespmem:s24+$0x0]  }
0x22: {  	v16 =	vld [tilespmem:s24+$0x10]  }
0x23: {  	v17 =	vld [tilespmem:s24+$0x20]  }
0x24: {  	v10 =	vld [tilespmem:s24+$0x30]  }
0x25: {  	v14 =	vld [tilespmem:s24+$0x40]  }
0x26: {  	v18 =	vld [tilespmem:s24+$0xFFFFFF80]  }
0x27: {  	v19 =	vld [tilespmem:s24+$0xFFFFFF00]  }
0x28: {  	v20 =	vld [tilespmem:s24+$0xFFFFFF10]  }
0x29: {  	v21 =	vld [tilespmem:s24+$0xFFFFFF20]  }
0x2a: {  	v22 =	vld [tilespmem:s24+$0xFFFFFF90]  }
0x2b: {  	v23 =	vld [tilespmem:s24+$0xFFFFFFA0]  }
0x2c: {  	v26 =	vimm.f32 $0.0e+00;
	v27 =	vld [tilespmem:s24+$0xFFFFFFB0]  }
0x2d: {  	v28 =	vld [tilespmem:s24+$0xFFFFFFC0];
	v19 =	vadd.f32 v19, v26  }
0x2e: {  	v24 =	vld [tilespmem:s24+$0xFFFFFF30];
	v20 =	vadd.f32 v20, v26;
	v21 =	vadd.f32 v21, v26  }
0x2f: {  	v25 =	vld [tilespmem:s24+$0xFFFFFF40];
	v18 =	vadd.f32 v18, v19  }
0x30: {  	v29 =	vld [tilespmem:s24+$0xFFFFFF60];
	v20 =	vadd.f32 v22, v20;
	v21 =	vadd.f32 v23, v21  }
0x31: {  	v19 =	vld [tilespmem:s24+$0xFFFFFF50];
	v15 =	vadd.f32 v15, v18  }
0x32: {  	v22 =	vld [tilespmem:s24+$0xFFFFFFD0];
	v16 =	vadd.f32 v16, v20;
	v18 =	vadd.f32 v17, v21  }
0x33: {  	v23 =	vld [tilespmem:s24+$0xFFFFFFE0];
	v15 =	vadd.f32 v11, v15  }
0x34: {  	v21 =	vld [tilespmem:s24+$0x50];
	v17 =	vadd.f32 v12, v16;
	v18 =	vadd.f32 v13, v18  }
0x35: {  	v11 =	vadd.f32 v24, v26;
	v12 =	vadd.f32 v25, v26;
	v24 =	vld [tilespmem:s24+$0x60]  }
0x36: {  	v20 =	vld [tilespmem:s24+$0xE0];
	v25 =	vadd.f32 v19, v26;
	v26 =	vadd.f32 v29, v26  }
0x37: {  	s22 =	simm.s32 $0x0;
	v19 =	vld [tilespmem:s24+$0xD0];
	s24 =	simm.s32 $0x6B00;
	v27 =	vadd.f32 v27, v11;
	v28 =	vadd.f32 v28, v12  }
.LBB2_3:
0x38: {  	v11 =	vld [tilespmem:s24+$0x80];
	v12 =	vadd.f32 v22, v25;
	v13 =	vadd.f32 v23, v26  }
0x39: {  	v16 =	vld [tilespmem:s24+$0x90];
	v10 =	vadd.f32 v10, v27;
	v14 =	vadd.f32 v14, v28  }
0x3a: {  	v25 =	vld [tilespmem:s24+$0xA0];
	v12 =	vadd.f32 v21, v12;
	v13 =	vadd.f32 v24, v13  }
0x3b: {  	v24 =	vadd.f32 v9, v10;
	v9 =	vld [tilespmem:s24+$0xB0];
	v26 =	vadd.f32 v8, v14  }
0x3c: {  	v8 =	vld [tilespmem:s24+$0xC0];
	v12 =	vadd.f32 v19, v12;
	v13 =	vadd.f32 v20, v13  }
0x3d: {  	v19 =	vld [tilespmem:s24+$0x0]  }
0x3e: {  	v20 =	vld [tilespmem:s24+$0x10]  }
0x3f: {  	v21 =	vld [tilespmem:s24+$0x20]  }
0x40: {  	v10 =	vld [tilespmem:s24+$0x30]  }
0x41: {  	v14 =	vld [tilespmem:s24+$0x40]  }
0x42: {  	v22 =	vld [tilespmem:s24+$0xFFFFFF80]  }
0x43: {  	v23 =	vld [tilespmem:s24+$0xFFFFFF00]  }
0x44: {  	v27 =	vld [tilespmem:s24+$0xFFFFFF10]  }
0x45: {  	v28 =	vld [tilespmem:s24+$0xFFFFFF20]  }
0x46: {  	v29 =	vld [tilespmem:s24+$0xFFFFFF90]  }
0x47: {  	v30 =	vld [tilespmem:s24+$0xFFFFFFA0]  }
0x48: {  	v31 =	vld [tilespmem:s24+$0xFFFFFFB0]  }
0x49: {  	v15 =	vadd.f32 v23, v15;
	v32 =	vld [tilespmem:s24+$0xFFFFFFC0]  }
0x4a: {  	v17 =	vadd.f32 v27, v17;
	v18 =	vadd.f32 v28, v18;
	v27 =	vld [tilespmem:s24+$0xFFFFFF30]  }
0x4b: {  	v15 =	vadd.f32 v22, v15;
	v28 =	vld [tilespmem:s24+$0xFFFFFF40]  }
0x4c: {  	v17 =	vadd.f32 v29, v17;
	v33 =	vld [tilespmem:s24+$0xFFFFFF50];
	v18 =	vadd.f32 v30, v18  }
0x4d: {  	s22 =	sadd.s32 $0x4, s22;
	v15 =	vadd.f32 v19, v15;
	v29 =	vld [tilespmem:s24+$0xFFFFFF60]  }
0x4e: {  	p0 =	slt.u32 s22, $0x60;
	v17 =	vadd.f32 v20, v17;
	v22 =	vld [tilespmem:s24+$0xFFFFFFD0];
	v18 =	vadd.f32 v21, v18  }
.Ltmp0:
0x4f: {  	v15 =	vadd.f32 v11, v15;
	v23 =	vld [tilespmem:s24+$0xFFFFFFE0];
	(pc) =	sbr.rel @p0 .LBB2_3-.Ltmp0, $4  }
0x50: {  	v17 =	vadd.f32 v16, v17;
	v21 =	vld [tilespmem:s24+$0x50];
	v18 =	vadd.f32 v25, v18  }
0x51: {  	v11 =	vadd.f32 v27, v24;
	v16 =	vadd.f32 v28, v26;
	v24 =	vld [tilespmem:s24+$0x60]  }
0x52: {  	v25 =	vadd.f32 v33, v12;
	v26 =	vadd.f32 v29, v13;
	v19 =	vld [tilespmem:s24+$0xD0]  }
0x53: {  	v27 =	vadd.f32 v31, v11;
	v28 =	vadd.f32 v32, v16;
	v20 =	vld [tilespmem:s24+$0xE0];
	s24 =	sadd.s32 $0x200, s24  }
0x54: {  	p0 =	seq.s32 s23, $0x3F  }
0x55: {  	s22 =	smul.u32 @!p0 $0x680, s23;
	_ =	sdelay $0x1  }
0x56: {  	s22 =	sshra.s32 @!p0 s22, $0x2  }
0x57: {  	s25 =	simm.s32 @!p0 $0x64;
	s26 =	simm.s32 @!p0 $0x6800;
	s24 =	sadd.s32 @!p0 $0x1A0, s22  }
0x58: {  	[tilespmem:s26], [sflag:$0x1] =	stream.indirect.gather @!p0 [hbm4b:s3+s25], $0x80, s24, s25, $0xb8;
	[tilespmem:$0x13080] =	vst v63  }
0x59: {  	_ =	swait.ge [sflag:s17], $0x3200  }
0x5a: {  	[sflag:s17] =	ssyncset.done $0x0  }
0x5b: {  	s31 =	simm.s32 $0x9B00;
	[sflag:s17] =	ssyncadd.s32 $0xFFFFCE00  }
0x5c: {  	v29 =	vld [tilespmem:s31+$0x80]  }
0x5d: {  	v30 =	vld [tilespmem:s31+$0x90]  }
0x5e: {  	v31 =	vld [tilespmem:s31+$0xA0]  }
0x5f: {  	v12 =	vld [tilespmem:s31+$0xB0]  }
0x60: {  	v11 =	vld [tilespmem:s31+$0xC0]  }
0x61: {  	v32 =	vld [tilespmem:s31+$0x0]  }
0x62: {  	v33 =	vld [tilespmem:s31+$0x10]  }
0x63: {  	v34 =	vld [tilespmem:s31+$0x20]  }
0x64: {  	v13 =	vld [tilespmem:s31+$0x30]  }
0x65: {  	v16 =	vld [tilespmem:s31+$0x40]  }
0x66: {  	v35 =	vld [tilespmem:s31+$0xFFFFFF80]  }
0x67: {  	v36 =	vld [tilespmem:s31+$0xFFFFFF00]  }
0x68: {  	v37 =	vld [tilespmem:s31+$0xFFFFFF10]  }
0x69: {  	v22 =	vadd.f32 v22, v25;
	v38 =	vld [tilespmem:s31+$0xFFFFFF20]  }
0x6a: {  	v23 =	vadd.f32 v23, v26;
	v10 =	vadd.f32 v10, v27;
	v25 =	vld [tilespmem:s31+$0xFFFFFF90]  }
0x6b: {  	v14 =	vadd.f32 v14, v28;
	v21 =	vadd.f32 v21, v22;
	v26 =	vld [tilespmem:s31+$0xFFFFFFA0]  }
0x6c: {  	v22 =	vadd.f32 v24, v23;
	v24 =	vadd.f32 v9, v10;
	v27 =	vld [tilespmem:s31+$0xFFFFFFB0]  }
0x6d: {  	v19 =	vadd.f32 v19, v21;
	v28 =	vld [tilespmem:s31+$0xFFFFFF40];
	v9 =	vadd.f32 v36, v15  }
0x6e: {  	v21 =	vld [tilespmem:s31+$0xFFFFFFD0];
	v10 =	vadd.f32 v37, v17;
	v17 =	vadd.f32 v38, v18  }
0x6f: {  	v14 =	vadd.f32 v8, v14;
	v18 =	vld [tilespmem:s31+$0xFFFFFF30];
	v8 =	vadd.f32 v35, v9  }
0x70: {  	v9 =	vadd.f32 v25, v10;
	v10 =	vadd.f32 v26, v17;
	v17 =	vld [tilespmem:s31+$0xFFFFFF50]  }
0x71: {  	v20 =	vadd.f32 v20, v22;
	v26 =	vld [tilespmem:s31+$0xFFFFFF60]  }
0x72: {  	v15 =	vld [tilespmem:s31+$0xFFFFFFC0];
	v14 =	vadd.f32 v28, v14;
	v8 =	vadd.f32 v32, v8  }
0x73: {  	v23 =	vld [tilespmem:s31+$0xFFFFFFE0];
	v9 =	vadd.f32 v33, v9;
	v25 =	vadd.f32 v34, v10  }
0x74: {  	v22 =	vld [tilespmem:s31+$0x50];
	v18 =	vadd.f32 v18, v24;
	v10 =	vadd.f32 v29, v8  }
0x75: {  	v24 =	vld [tilespmem:s31+$0x60];
	v8 =	vadd.f32 v30, v9;
	v9 =	vadd.f32 v31, v25  }
0x76: {  	v25 =	vadd.f32 v17, v19;
	v26 =	vadd.f32 v26, v20;
	v17 =	vld [tilespmem:s31+$0xD0]  }
0x77: {  	s23 =	sadd.s32 $0x1, s23;
	s24 =	simm.s32 $0x0;
	s25 =	simm.s32 $0x9D00;
	v28 =	vadd.f32 v15, v14;
	v27 =	vadd.f32 v27, v18;
	v18 =	vld [tilespmem:s31+$0xE0]  }
.LBB2_5:
0x78: {  	v14 =	vld [tilespmem:s25+$0x80];
	v15 =	vadd.f32 v21, v25;
	v19 =	vadd.f32 v23, v26  }
0x79: {  	v20 =	vld [tilespmem:s25+$0x90];
	v13 =	vadd.f32 v13, v27;
	v16 =	vadd.f32 v16, v28  }
0x7a: {  	v25 =	vld [tilespmem:s25+$0xA0];
	v15 =	vadd.f32 v22, v15;
	v19 =	vadd.f32 v24, v19  }
0x7b: {  	v24 =	vadd.f32 v12, v13;
	v12 =	vld [tilespmem:s25+$0xB0];
	v26 =	vadd.f32 v11, v16  }
0x7c: {  	v11 =	vld [tilespmem:s25+$0xC0];
	v15 =	vadd.f32 v17, v15;
	v17 =	vadd.f32 v18, v19  }
0x7d: {  	v18 =	vld [tilespmem:s25+$0x0]  }
0x7e: {  	v19 =	vld [tilespmem:s25+$0x10]  }
0x7f: {  	v22 =	vld [tilespmem:s25+$0x20]  }
0x80: {  	v13 =	vld [tilespmem:s25+$0x30]  }
0x81: {  	v16 =	vld [tilespmem:s25+$0x40]  }
0x82: {  	v21 =	vld [tilespmem:s25+$0xFFFFFF80]  }
0x83: {  	v23 =	vld [tilespmem:s25+$0xFFFFFF00]  }
0x84: {  	v27 =	vld [tilespmem:s25+$0xFFFFFF10]  }
0x85: {  	v28 =	vld [tilespmem:s25+$0xFFFFFF20]  }
0x86: {  	v29 =	vld [tilespmem:s25+$0xFFFFFF90]  }
0x87: {  	v30 =	vld [tilespmem:s25+$0xFFFFFFA0]  }
0x88: {  	v31 =	vld [tilespmem:s25+$0xFFFFFFB0]  }
0x89: {  	v10 =	vadd.f32 v23, v10;
	v32 =	vld [tilespmem:s25+$0xFFFFFFC0]  }
0x8a: {  	v8 =	vadd.f32 v27, v8;
	v9 =	vadd.f32 v28, v9;
	v27 =	vld [tilespmem:s25+$0xFFFFFF30]  }
0x8b: {  	v10 =	vadd.f32 v21, v10;
	v28 =	vld [tilespmem:s25+$0xFFFFFF40]  }
0x8c: {  	v8 =	vadd.f32 v29, v8;
	v33 =	vld [tilespmem:s25+$0xFFFFFF50];
	v9 =	vadd.f32 v30, v9  }
0x8d: {  	s24 =	sadd.s32 $0x4, s24;
	v10 =	vadd.f32 v18, v10;
	v29 =	vld [tilespmem:s25+$0xFFFFFF60]  }
0x8e: {  	p1 =	slt.u32 s24, $0x60;
	v8 =	vadd.f32 v19, v8;
	v21 =	vld [tilespmem:s25+$0xFFFFFFD0];
	v9 =	vadd.f32 v22, v9  }
.Ltmp1:
0x8f: {  	v10 =	vadd.f32 v14, v10;
	v23 =	vld [tilespmem:s25+$0xFFFFFFE0];
	(pc) =	sbr.rel @p1 .LBB2_5-.Ltmp1, $4  }
0x90: {  	v8 =	vadd.f32 v20, v8;
	v22 =	vld [tilespmem:s25+$0x50];
	v9 =	vadd.f32 v25, v9  }
0x91: {  	v14 =	vadd.f32 v27, v24;
	v18 =	vadd.f32 v28, v26;
	v24 =	vld [tilespmem:s25+$0x60]  }
0x92: {  	v25 =	vadd.f32 v33, v15;
	v26 =	vadd.f32 v29, v17;
	v17 =	vld [tilespmem:s25+$0xD0]  }
0x93: {  	v27 =	vadd.f32 v31, v14;
	v28 =	vadd.f32 v32, v18;
	v18 =	vld [tilespmem:s25+$0xE0];
	s25 =	sadd.s32 $0x200, s25  }
0x94: {  	s24 =	sadd.s32 @!p0 $0x208, s22;
	s25 =	simm.s32 @!p0 $0x64;
	s26 =	simm.s32 @!p0 $0x9A00  }
0x95: {  	[tilespmem:s26], [sflag:$0x2] =	stream.indirect.gather @!p0 [hbm4b:s3+s25], $0x80, s24, s25, $0xb8;
	[tilespmem:$0x13080] =	vst v63  }
0x96: {  	_ =	swait.ge [sflag:s18], $0x3200  }
0x97: {  	[sflag:s18] =	ssyncset.done $0x0  }
0x98: {  	s31 =	simm.s32 $0xCD00;
	[sflag:s18] =	ssyncadd.s32 $0xFFFFCE00  }
0x99: {  	v29 =	vld [tilespmem:s31+$0x80]  }
0x9a: {  	v31 =	vld [tilespmem:s31+$0x90]  }
0x9b: {  	v32 =	vld [tilespmem:s31+$0xA0]  }
0x9c: {  	v14 =	vld [tilespmem:s31+$0xB0]  }
0x9d: {  	v15 =	vld [tilespmem:s31+$0xC0]  }
0x9e: {  	v30 =	vld [tilespmem:s31+$0x0]  }
0x9f: {  	v33 =	vld [tilespmem:s31+$0x10]  }
0xa0: {  	v34 =	vld [tilespmem:s31+$0x20]  }
0xa1: {  	v19 =	vld [tilespmem:s31+$0x30]  }
0xa2: {  	v20 =	vld [tilespmem:s31+$0x40]  }
0xa3: {  	v35 =	vld [tilespmem:s31+$0xFFFFFF80]  }
0xa4: {  	v36 =	vld [tilespmem:s31+$0xFFFFFF00]  }
0xa5: {  	v37 =	vld [tilespmem:s31+$0xFFFFFF10]  }
0xa6: {  	v38 =	vld [tilespmem:s31+$0xFFFFFF20]  }
0xa7: {  	v21 =	vadd.f32 v21, v25;
	v23 =	vadd.f32 v23, v26;
	v25 =	vld [tilespmem:s31+$0xFFFFFF90]  }
0xa8: {  	v13 =	vadd.f32 v13, v27;
	v16 =	vadd.f32 v16, v28;
	v26 =	vld [tilespmem:s31+$0xFFFFFFA0]  }
0xa9: {  	v39 =	vimm.f32 $0.0e+00;
	v21 =	vadd.f32 v22, v21;
	v22 =	vadd.f32 v24, v23;
	v40 =	vld [tilespmem:s31+$0xFFFFFFB0]  }
0xaa: {  	v12 =	vadd.f32 v12, v13;
	v60 =	vld [tilespmem:s31+$0xFFFFFFC0];
	v13 =	vadd.f32 v36, v39  }
0xab: {  	v61 =	vld [tilespmem:s31+$0xFFFFFF30];
	v23 =	vadd.f32 v37, v39;
	v24 =	vadd.f32 v38, v39  }
0xac: {  	v11 =	vadd.f32 v11, v16;
	v62 =	vld [tilespmem:s31+$0xFFFFFF40];
	v16 =	vadd.f32 v35, v13  }
0xad: {  	v23 =	vadd.f32 v25, v23;
	v24 =	vadd.f32 v26, v24;
	v26 =	vld [tilespmem:s31+$0xFFFFFF50]  }
0xae: {  	v13 =	vadd.f32 v17, v21;
	v17 =	vld [tilespmem:s31+$0xFFFFFF60];
	v21 =	vadd.f32 v30, v16  }
0xaf: {  	v27 =	vld [tilespmem:s31+$0xFFFFFFD0];
	v25 =	vadd.f32 v33, v23;
	v63 =	vadd.f32 v34, v24  }
0xb0: {  	v16 =	vadd.f32 v18, v22;
	v30 =	vld [tilespmem:s31+$0xFFFFFFE0];
	v18 =	vadd.f32 v61, v39  }
0xb1: {  	v28 =	vld [tilespmem:s31+$0x50];
	v23 =	vadd.f32 v29, v21;
	v24 =	vadd.f32 v31, v25  }
0xb2: {  	v25 =	vadd.f32 v32, v63;
	v21 =	vadd.f32 v62, v39;
	v31 =	vld [tilespmem:s31+$0x60]  }
0xb3: {  	v29 =	vld [tilespmem:s31+$0xE0];
	v33 =	vadd.f32 v26, v39;
	v32 =	vadd.f32 v17, v39  }
0xb4: {  	s24 =	simm.s32 $0x0;
	s25 =	simm.s32 $0xCF00;
	v35 =	vadd.f32 v40, v18;
	v26 =	vld [tilespmem:s31+$0xD0];
	v34 =	vadd.f32 v60, v21  }
.LBB2_7:
0xb5: {  	v17 =	vld [tilespmem:s25+$0x80];
	v18 =	vadd.f32 v27, v33;
	v21 =	vadd.f32 v30, v32  }
0xb6: {  	v22 =	vld [tilespmem:s25+$0x90];
	v19 =	vadd.f32 v19, v35;
	v20 =	vadd.f32 v20, v34  }
0xb7: {  	v32 =	vld [tilespmem:s25+$0xA0];
	v18 =	vadd.f32 v28, v18;
	v21 =	vadd.f32 v31, v21  }
0xb8: {  	v31 =	vadd.f32 v14, v19;
	v14 =	vld [tilespmem:s25+$0xB0];
	v33 =	vadd.f32 v15, v20  }
0xb9: {  	v15 =	vld [tilespmem:s25+$0xC0];
	v18 =	vadd.f32 v26, v18;
	v21 =	vadd.f32 v29, v21  }
0xba: {  	v26 =	vld [tilespmem:s25+$0x0]  }
0xbb: {  	v28 =	vld [tilespmem:s25+$0x10]  }
0xbc: {  	v29 =	vld [tilespmem:s25+$0x20]  }
0xbd: {  	v19 =	vld [tilespmem:s25+$0x30]  }
0xbe: {  	v20 =	vld [tilespmem:s25+$0x40]  }
0xbf: {  	v27 =	vld [tilespmem:s25+$0xFFFFFF80]  }
0xc0: {  	v30 =	vld [tilespmem:s25+$0xFFFFFF00]  }
0xc1: {  	v34 =	vld [tilespmem:s25+$0xFFFFFF10]  }
0xc2: {  	v35 =	vld [tilespmem:s25+$0xFFFFFF20]  }
0xc3: {  	v36 =	vld [tilespmem:s25+$0xFFFFFF90]  }
0xc4: {  	v37 =	vld [tilespmem:s25+$0xFFFFFFA0]  }
0xc5: {  	v38 =	vld [tilespmem:s25+$0xFFFFFFB0]  }
0xc6: {  	v23 =	vadd.f32 v30, v23;
	v39 =	vld [tilespmem:s25+$0xFFFFFFC0]  }
0xc7: {  	v24 =	vadd.f32 v34, v24;
	v25 =	vadd.f32 v35, v25;
	v34 =	vld [tilespmem:s25+$0xFFFFFF30]  }
0xc8: {  	v23 =	vadd.f32 v27, v23;
	v35 =	vld [tilespmem:s25+$0xFFFFFF40]  }
0xc9: {  	v24 =	vadd.f32 v36, v24;
	v40 =	vld [tilespmem:s25+$0xFFFFFF50];
	v25 =	vadd.f32 v37, v25  }
0xca: {  	s24 =	sadd.s32 $0x4, s24;
	v23 =	vadd.f32 v26, v23;
	v36 =	vld [tilespmem:s25+$0xFFFFFF60]  }
0xcb: {  	p1 =	slt.u32 s24, $0x60;
	v24 =	vadd.f32 v28, v24;
	v27 =	vld [tilespmem:s25+$0xFFFFFFD0];
	v25 =	vadd.f32 v29, v25  }
.Ltmp2:
0xcc: {  	v23 =	vadd.f32 v17, v23;
	v30 =	vld [tilespmem:s25+$0xFFFFFFE0];
	(pc) =	sbr.rel @p1 .LBB2_7-.Ltmp2, $4  }
0xcd: {  	v24 =	vadd.f32 v22, v24;
	v28 =	vld [tilespmem:s25+$0x50];
	v25 =	vadd.f32 v32, v25  }
0xce: {  	v17 =	vadd.f32 v34, v31;
	v22 =	vadd.f32 v35, v33;
	v31 =	vld [tilespmem:s25+$0x60]  }
0xcf: {  	v33 =	vadd.f32 v40, v18;
	v32 =	vadd.f32 v36, v21;
	v26 =	vld [tilespmem:s25+$0xD0]  }
0xd0: {  	v35 =	vadd.f32 v38, v17;
	v34 =	vadd.f32 v39, v22;
	v29 =	vld [tilespmem:s25+$0xE0];
	s25 =	sadd.s32 $0x200, s25  }
0xd1: {  	s24 =	sadd.s32 @!p0 $0x270, s22;
	s25 =	simm.s32 @!p0 $0x64;
	s26 =	simm.s32 @!p0 $0xCC00  }
0xd2: {  	[tilespmem:s26], [sflag:$0x3] =	stream.indirect.gather @!p0 [hbm4b:s3+s25], $0x80, s24, s25, $0xb8;
	[tilespmem:$0x13080] =	vst v63  }
0xd3: {  	_ =	swait.ge [sflag:s19], $0x3200  }
0xd4: {  	[sflag:s19] =	ssyncset.done $0x0  }
0xd5: {  	s31 =	simm.s32 $0xFF00;
	[sflag:s19] =	ssyncadd.s32 $0xFFFFCE00  }
0xd6: {  	v36 =	vld [tilespmem:s31+$0x80]  }
0xd7: {  	v37 =	vld [tilespmem:s31+$0x90]  }
0xd8: {  	v38 =	vld [tilespmem:s31+$0xA0]  }
0xd9: {  	v17 =	vld [tilespmem:s31+$0xB0]  }
0xda: {  	v18 =	vld [tilespmem:s31+$0xC0]  }
0xdb: {  	v39 =	vld [tilespmem:s31+$0x0]  }
0xdc: {  	v40 =	vld [tilespmem:s31+$0x10]  }
0xdd: {  	v41 =	vld [tilespmem:s31+$0x20]  }
0xde: {  	v21 =	vld [tilespmem:s31+$0x30]  }
0xdf: {  	v22 =	vld [tilespmem:s31+$0x40]  }
0xe0: {  	v42 =	vld [tilespmem:s31+$0xFFFFFF80]  }
0xe1: {  	v43 =	vld [tilespmem:s31+$0xFFFFFF00]  }
0xe2: {  	v44 =	vld [tilespmem:s31+$0xFFFFFF10]  }
0xe3: {  	v27 =	vadd.f32 v27, v33;
	v56 =	vld [tilespmem:s31+$0xFFFFFF20]  }
0xe4: {  	v19 =	vadd.f32 v19, v35;
	v20 =	vadd.f32 v20, v34;
	v57 =	vld [tilespmem:s31+$0xFFFFFF90]  }
0xe5: {  	v30 =	vadd.f32 v30, v32;
	v27 =	vadd.f32 v28, v27;
	v58 =	vld [tilespmem:s31+$0xFFFFFFA0]  }
0xe6: {  	v19 =	vadd.f32 v14, v19;
	v20 =	vadd.f32 v15, v20;
	v59 =	vld [tilespmem:s31+$0xFFFFFFB0]  }
0xe7: {  	v14 =	vadd.f32 v43, v23;
	v15 =	vadd.f32 v44, v24;
	v24 =	vld [tilespmem:s31+$0xFFFFFF30]  }
0xe8: {  	v23 =	vadd.f32 v56, v25;
	v25 =	vadd.f32 v26, v27;
	v26 =	vld [tilespmem:s31+$0xFFFFFF40]  }
0xe9: {  	v30 =	vadd.f32 v31, v30;
	v27 =	vld [tilespmem:s31+$0xFFFFFF50]  }
0xea: {  	v60 =	vld [tilespmem:s31+$0xFFFFFFC0];
	v14 =	vadd.f32 v42, v14;
	v15 =	vadd.f32 v57, v15  }
0xeb: {  	v7 =	vmax.f32 v7, v10;
	v61 =	vadd.f32 v29, v30;
	v63 =	vld [tilespmem:s31+$0xFFFFFF60];
	v23 =	vadd.f32 v58, v23  }
0xec: {  	v6 =	vmax.f32 v6, v8;
	v62 =	vadd.f32 v39, v14;
	v10 =	vadd.f32 v40, v15;
	v14 =	vld [tilespmem:s31+$0xFFFFFFD0]  }
0xed: {  	v5 =	vmax.f32 v5, v9;
	v23 =	vadd.f32 v41, v23;
	v15 =	vld [tilespmem:s31+$0xFFFFFFE0];
	v24 =	vadd.f32 v24, v19  }
0xee: {  	v4 =	vmax.f32 v4, v12;
	v12 =	vld [tilespmem:s31+$0x50];
	v26 =	vadd.f32 v26, v20;
	v20 =	vadd.f32 v27, v25  }
0xef: {  	v3 =	vmax.f32 v3, v11;
	v19 =	vld [tilespmem:s31+$0x60];
	v8 =	vadd.f32 v36, v62;
	v9 =	vadd.f32 v37, v10  }
0xf0: {  	v2 =	vmax.f32 v2, v13;
	v11 =	vld [tilespmem:s31+$0xD0];
	v10 =	vadd.f32 v38, v23;
	v23 =	vadd.f32 v63, v61  }
0xf1: {  	v1 =	vmax.f32 v1, v16;
	s24 =	simm.s32 $0x0;
	s25 =	simm.s32 $0x10100;
	v13 =	vld [tilespmem:s31+$0xE0];
	v16 =	vadd.f32 v59, v24;
	v24 =	vadd.f32 v60, v26  }
.LBB2_9:
0xf2: {  	v25 =	vld [tilespmem:s25+$0x80];
	v14 =	vadd.f32 v14, v20;
	v15 =	vadd.f32 v15, v23  }
0xf3: {  	v20 =	vld [tilespmem:s25+$0x90];
	v16 =	vadd.f32 v21, v16;
	v21 =	vadd.f32 v22, v24  }
0xf4: {  	v23 =	vld [tilespmem:s25+$0xA0];
	v12 =	vadd.f32 v12, v14;
	v14 =	vadd.f32 v19, v15  }
0xf5: {  	v16 =	vadd.f32 v17, v16;
	v17 =	vld [tilespmem:s25+$0xB0];
	v19 =	vadd.f32 v18, v21  }
0xf6: {  	v18 =	vld [tilespmem:s25+$0xC0];
	v11 =	vadd.f32 v11, v12;
	v13 =	vadd.f32 v13, v14  }
0xf7: {  	v12 =	vld [tilespmem:s25+$0x0]  }
0xf8: {  	v15 =	vld [tilespmem:s25+$0x10]  }
0xf9: {  	v24 =	vld [tilespmem:s25+$0x20]  }
0xfa: {  	v21 =	vld [tilespmem:s25+$0x30]  }
0xfb: {  	v22 =	vld [tilespmem:s25+$0x40]  }
0xfc: {  	v14 =	vld [tilespmem:s25+$0xFFFFFF80]  }
0xfd: {  	v26 =	vld [tilespmem:s25+$0xFFFFFF00]  }
0xfe: {  	v27 =	vld [tilespmem:s25+$0xFFFFFF10]  }
0xff: {  	v28 =	vld [tilespmem:s25+$0xFFFFFF20]  }
0x100: {  	v29 =	vld [tilespmem:s25+$0xFFFFFF90]  }
0x101: {  	v30 =	vld [tilespmem:s25+$0xFFFFFFA0]  }
0x102: {  	v31 =	vld [tilespmem:s25+$0xFFFFFFB0]  }
0x103: {  	v8 =	vadd.f32 v26, v8;
	v26 =	vld [tilespmem:s25+$0xFFFFFFC0]  }
0x104: {  	v9 =	vadd.f32 v27, v9;
	v10 =	vadd.f32 v28, v10;
	v27 =	vld [tilespmem:s25+$0xFFFFFF30]  }
0x105: {  	v8 =	vadd.f32 v14, v8;
	v28 =	vld [tilespmem:s25+$0xFFFFFF40]  }
0x106: {  	v9 =	vadd.f32 v29, v9;
	v32 =	vld [tilespmem:s25+$0xFFFFFF50];
	v10 =	vadd.f32 v30, v10  }
0x107: {  	s24 =	sadd.s32 $0x4, s24;
	v8 =	vadd.f32 v12, v8;
	v29 =	vld [tilespmem:s25+$0xFFFFFF60]  }
0x108: {  	p1 =	slt.u32 s24, $0x60;
	v9 =	vadd.f32 v15, v9;
	v14 =	vld [tilespmem:s25+$0xFFFFFFD0];
	v10 =	vadd.f32 v24, v10  }
.Ltmp3:
0x109: {  	v8 =	vadd.f32 v25, v8;
	v15 =	vld [tilespmem:s25+$0xFFFFFFE0];
	(pc) =	sbr.rel @p1 .LBB2_9-.Ltmp3, $4  }
0x10a: {  	v9 =	vadd.f32 v20, v9;
	v12 =	vld [tilespmem:s25+$0x50];
	v10 =	vadd.f32 v23, v10  }
0x10b: {  	v16 =	vadd.f32 v27, v16;
	v24 =	vadd.f32 v28, v19;
	v19 =	vld [tilespmem:s25+$0x60]  }
0x10c: {  	v20 =	vadd.f32 v32, v11;
	v23 =	vadd.f32 v29, v13;
	v11 =	vld [tilespmem:s25+$0xD0]  }
0x10d: {  	v16 =	vadd.f32 v31, v16;
	v24 =	vadd.f32 v26, v24;
	v13 =	vld [tilespmem:s25+$0xE0];
	s25 =	sadd.s32 $0x200, s25  }
0x10e: {  	s22 =	sadd.s32 @!p0 $0x2D8, s22;
	s24 =	simm.s32 @!p0 $0x64;
	s25 =	simm.s32 @!p0 $0xFE00  }
0x10f: {  	v14 =	vadd.f32 v14, v20;
	v15 =	vadd.f32 v15, v23;
	[tilespmem:s25], [sflag:$0x4] =	stream.indirect.gather @!p0 [hbm4b:s3+s24], $0x80, s22, s24, $0xb8;
	[tilespmem:$0x13080] =	vst v63  }
0x110: {  	v16 =	vadd.f32 v21, v16;
	v59 =	vadd.f32 v22, v24;
	p0 =	sne.s32 s23, $0x40  }
.Ltmp4:
0x111: {  	v12 =	vadd.f32 v12, v14;
	v60 =	vadd.f32 v19, v15;
	(pc) =	sbr.rel @p0 .LBB2_2-.Ltmp4, $4  }
0x112: {  	v61 =	vadd.f32 v17, v16;
	v62 =	vadd.f32 v18, v59  }
0x113: {  	v7 =	vmax.f32 v7, v8;
	v11 =	vadd.f32 v11, v12;
	v63 =	vadd.f32 v13, v60  }
0x114: {  	v6 =	vmax.f32 v6, v9;
	v5 =	vmax.f32 v5, v10;
	v4 =	vmax.f32 v4, v61  }
0x115: {  	v3 =	vmax.f32 v3, v62;
	v2 =	vmax.f32 v2, v11;
	v1 =	vmax.f32 v1, v63  }
0x116: {  	[tilespmem:$0x13070] =	vst v0  }
0x117: {  	[tilespmem:$0x13000] =	vst v7  }
0x118: {  	[tilespmem:$0x13010] =	vst v6  }
0x119: {  	[tilespmem:$0x13020] =	vst v5  }
0x11a: {  	[tilespmem:$0x13030] =	vst v4  }
0x11b: {  	[tilespmem:$0x13040] =	vst v3;
	s21 =	sadd.s32 $0x1, s21  }
0x11c: {  	[tilespmem:$0x13050] =	vst v2;
	p0 =	sne.s32 s21, s6  }
.Ltmp5:
0x11d: {  	[tilespmem:$0x13060] =	vst v1;
	(pc) =	sbr.rel @p0 .LBB2_1-.Ltmp5, $4  }
0x11e: {  	[hbm4b:s5+s2] =	stream.linear.scatter [tilespmem:s20], [sflag:$0x5], $0x80, $0x38;
	[tilespmem:$0x13080] =	vst v63  }
0x11f: {  	_ =	swait.ge [sflag:s7], $0x80  }
0x120: {  	[sflag:s7] =	ssyncset.done $0x0  }
0x121: {  	[sflag:s7] =	ssyncadd.s32 $0xFFFFFF80  }
0x122: {  	_ =	sfence.sel $0x180000  }
0x123: {  	[bflag:$0x0] =	sbarrier.arrive $0xFFFF  }
0x124: {  	p0 =	sne.s32 s0, $0x0;
	_ =	strace $0x90000047  }
0x125: {  	s0 =	sadd.s32 @!p0 $0x100000, s1;
	[bflag:$0x2] =	sbarrier.arrive $0xFFFF  }
0x126: {  	[sflag:s0] =	ssyncadd.tile.s32 @!p0 $0x1;
	_ =	shalt  }
.Lfunc_end2:
_tile_overlayer_lowered:
.L_overlay_start_2:
0x127: {  	(tag) =	ssettag $0x2  }
0x128: {  	s0 =	rddreg [dreg:$0x0];
	s2 =	stileid.u32  }
0x129: {  	s1 =	rddreg [dreg:$0x1];
	p0 =	sne.s32 s2, $0x0  }
0x12a: {  	s3 =	rddreg [dreg:$0x2];
	[bflag:$0x3] =	sbarrier.arrive $0xFFFF;
	s2 =	simm.s32 @!p0 $0x1C05  }
0x12b: {  	[timem:s3], [sflag:s2] =	dma.local @!p0 [hbm:s0], s1  }
0x12c: {  	s0 =	simm.s32 @!p0 $0x5  }
0x12d: {  	_ =	swait.ge @!p0 [sflag:s0], s1  }
0x12e: {  	s1 =	ssub.s32 @!p0 $0x0, s1;
	[sflag:s0] =	ssyncset.done @!p0 $0x0  }
0x12f: {  	[sflag:s0] =	ssyncadd.s32 @!p0 s1  }
0x130: {  	[bflag:$0x3] =	sbarrier.arrive $0xFFFF  }
0x131: {  	_ =	shalt  }

</sc_bundles>
